<compile_context>
chip_gen: v7x
topology: tpu7x:2x2x1
jax: 0.10.2.dev20260603
libtpu: 0.0.44.dev20260713+nightly
codegen_flags: <defaults>
</compile_context>

<pallas_src>
import functools

import jax
import jax.numpy as jnp
from jax import lax
from jax.experimental import pallas as pl
from jax.experimental.pallas import tpu as pltpu
from jax.experimental.pallas import tpu_sc as plsc

VOCAB = 1000000
HID = 64
MAXLEN = 200
N = 4096 * 200
NC = 2
NS = 16
NW = NC * NS
PER_W = N // NW
CH = 512
STEPS = CH // 128
N_CHUNKS = PER_W // CH
NBUF = 3


def _body(xf_hbm, pf_hbm, wword_hbm, wpos_hbm, out_hbm,
          xidx_v, pidx_v, wpos_v, rows_v, sem_w, sem_a, sem_wb):
    wid = lax.axis_index("s") * NC + lax.axis_index("c")
    base = wid * PER_W

    @pl.when(lax.axis_index("s") == 0)
    def _():
        pltpu.sync_copy(wpos_hbm, wpos_v)
    plsc.subcore_barrier()

    def fire_stage1(cc, b):
        start = base + cc * CH
        xrow = start // 128
        pltpu.sync_copy(xf_hbm.at[pl.ds(xrow, STEPS)], xidx_v.at[b])
        pltpu.sync_copy(pf_hbm.at[pl.ds(xrow, STEPS)], pidx_v.at[b])
        for s in range(STEPS):
            pltpu.async_copy(
                wword_hbm.at[xidx_v.at[b, s]],
                rows_v.at[b, pl.ds(s * 128, 128)],
                sem_w.at[b],
            )

    def fire_stage2(b):
        pltpu.make_async_copy(
            wword_hbm.at[pl.ds(0, CH)], rows_v.at[b], sem_w.at[b]
        ).wait()
        for s in range(STEPS):
            pltpu.async_copy(
                wpos_v.at[pidx_v.at[b, s]],
                rows_v.at[b, pl.ds(s * 128, 128)],
                sem_a.at[b],
                add=True,
            )

    def fire_stage3(cc, b):
        start = base + cc * CH
        pltpu.make_async_copy(
            wword_hbm.at[pl.ds(0, CH)], rows_v.at[b], sem_a.at[b]
        ).wait()
        pltpu.async_copy(rows_v.at[b], out_hbm.at[pl.ds(start, CH)], sem_wb.at[b])

    def wait_wb(cc, b):
        start = base + cc * CH
        pltpu.make_async_copy(
            wword_hbm.at[pl.ds(0, CH)], out_hbm.at[pl.ds(start, CH)], sem_wb.at[b]
        ).wait()

    n_slots = N_CHUNKS + 2
    n_outer = (n_slots + NBUF - 1) // NBUF

    @pl.loop(0, n_outer)
    def _outer(it):
        for b in range(NBUF):
            cc = it * NBUF + b

            @pl.when(jnp.logical_and(cc >= NBUF, cc < N_CHUNKS))
            def _():
                wait_wb(cc - NBUF, b)

            @pl.when(cc < N_CHUNKS)
            def _():
                fire_stage1(cc, b)

            b1 = (b - 1) % NBUF

            @pl.when(jnp.logical_and(cc >= 1, cc - 1 < N_CHUNKS))
            def _():
                fire_stage2(b1)

            b2 = (b - 2) % NBUF

            @pl.when(jnp.logical_and(cc >= 2, cc - 2 < N_CHUNKS))
            def _():
                fire_stage3(cc - 2, b2)

    for tail in range(NBUF):
        cc = N_CHUNKS - NBUF + tail
        wait_wb(cc, cc % NBUF)


@jax.jit
def _emb(xf, pf, wword, wpos):
    mesh = plsc.VectorSubcoreMesh(core_axis_name="c", subcore_axis_name="s")
    f = functools.partial(
        pl.kernel,
        out_type=jax.ShapeDtypeStruct((N, HID), jnp.float32),
        mesh=mesh,
        compiler_params=pltpu.CompilerParams(
            needs_layout_passes=False, use_tc_tiling_on_sc=False),
        scratch_types=[
            pltpu.VMEM((NBUF, STEPS, 128), jnp.int32),
            pltpu.VMEM((NBUF, STEPS, 128), jnp.int32),
            pltpu.VMEM_SHARED((MAXLEN, HID), jnp.float32),
            pltpu.VMEM((NBUF, CH, HID), jnp.float32),
            pltpu.SemaphoreType.DMA((NBUF,)),
            pltpu.SemaphoreType.DMA((NBUF,)),
            pltpu.SemaphoreType.DMA((NBUF,)),
        ],
    )(_body)
    return f(xf, pf, wword, wpos)


def kernel(X, pos, W_word, W_pos):
    xf = X.reshape(N // 128, 128).astype(jnp.int32)
    pf = pos.reshape(N // 128, 128).astype(jnp.int32)
    out = _emb(xf, pf, W_word, W_pos)
    return out.reshape(X.shape + (HID,))

# --- scband reference (transcript-rebuilt; emitter-appended) ---
"""Pipeline reference for scband-embedding-nn-62517543960865 (READ-ONLY COPY).

The authoritative reference and input builder live on the scoring server;
editing this copy changes nothing except your own understanding.
"""

import jax, jax.numpy as jnp
import numpy as np

VOCAB = 1000000
HID = 64
MAXLEN = 200
B = 4096
L = 200

def setup_inputs(seed: int = 0) -> dict:
    key = jax.random.key(seed)
    k1, k2, k3, k4 = jax.random.split(key, 4)
    X = jax.random.randint(k1, (B, L), 0, VOCAB, dtype=jnp.int64 if jax.config.jax_enable_x64 else jnp.int32)
    pos = jax.random.randint(k2, (B, L), 0, MAXLEN, dtype=jnp.int64 if jax.config.jax_enable_x64 else jnp.int32)
    W_word = jax.random.normal(k3, (VOCAB, HID), dtype=jnp.float32)
    W_pos = jax.random.normal(k4, (MAXLEN, HID), dtype=jnp.float32)
    return {"X": X, "pos": pos, "W_word": W_word, "W_pos": W_pos}

def reference(X, pos, W_word, W_pos):
    word_embedding = jnp.take(W_word, X, axis=0)
    pos_embedding = jnp.take(W_pos, pos, axis=0)
    return word_embedding + pos_embedding

if __name__ == "__main__":
    import jax
    _d = setup_inputs()
    print(jax.jit(kernel)(*tuple(_d.values())))

</pallas_src>

<mosaic_0001>
#map = affine_map<(d0, d1) -> (0, 0)>
module attributes {stable_mosaic.version = 14 : i64} {
  func.func @_body(%arg0: i32, %arg1: i32, %arg2: memref<6400x128xi32, #tpu.memory_space<hbm>>, %arg3: memref<6400x128xi32, #tpu.memory_space<hbm>>, %arg4: memref<1000000x64xf32, #tpu.memory_space<hbm>>, %arg5: memref<200x64xf32, #tpu.memory_space<hbm>>, %arg6: memref<819200x64xf32, #tpu.memory_space<hbm>>, %arg7: memref<3x4x128xi32, #tpu.memory_space<vmem>>, %arg8: memref<3x4x128xi32, #tpu.memory_space<vmem>>, %arg9: memref<200x64xf32, #tpu.memory_space<vmem_shared>>, %arg10: memref<3x512x64xf32, #tpu.memory_space<vmem>>, %arg11: memref<3x!tpu.dma_semaphore, #tpu.memory_space<semaphore_mem>>, %arg12: memref<3x!tpu.dma_semaphore, #tpu.memory_space<semaphore_mem>>, %arg13: memref<3x!tpu.dma_semaphore, #tpu.memory_space<semaphore_mem>>) attributes {dimension_semantics = [#tpu.dimension_semantics<core_parallel>, #tpu.dimension_semantics<subcore_parallel>], iteration_bounds = array<i64: 2, 16>, scalar_prefetch = 0 : i64, scratch_operands = 7 : i64, tpu.core_type = #tpu.core_type<sc_vector_subcore>, window_params = [{transform_indices = #map}, {transform_indices = #map}, {transform_indices = #map}, {transform_indices = #map}, {transform_indices = #map}]} {
    %mul3A = arith.constant 2 : i32
    %mul3A_0 = arith.muli %arg1, %mul3A : i32
    %add3A = arith.addi %mul3A_0, %arg0 : i32
    %mul3A_1 = arith.constant 25600 : i32
    %mul3A_2 = arith.muli %add3A, %mul3A_1 : i32
    %eq3A = arith.constant 0 : i32
    %eq3A_3 = arith.cmpi eq, %arg1, %eq3A : i32
    %convert_element_type3A = arith.extui %eq3A_3 : i1 to i32
    %cond3A = arith.constant 0 : i32
    %cond3A_4 = arith.cmpi ne, %convert_element_type3A, %cond3A : i32
    scf.if %cond3A_4 {
      "tpu.region"() ({
        %run_scoped3A = tpu.sem_alloc : memref<!tpu.dma_semaphore, #tpu.memory_space<semaphore_mem>>
        tpu.enqueue_dma source(%arg5 : memref<200x64xf32, #tpu.memory_space<hbm>>) target(%arg9 : memref<200x64xf32, #tpu.memory_space<vmem_shared>>) target_semaphore(%run_scoped3A : memref<!tpu.dma_semaphore, #tpu.memory_space<semaphore_mem>>)
        tpu.wait_dma2 semaphore(%run_scoped3A : memref<!tpu.dma_semaphore, #tpu.memory_space<semaphore_mem>>) src(%arg5 : memref<200x64xf32, #tpu.memory_space<hbm>>) dst(%arg9 : memref<200x64xf32, #tpu.memory_space<vmem_shared>>)
        tpu.yield
      }) : () -> ()
    } else {
    }
    %barrier3A = arith.constant 0 : index
    tpu.barrier barrier_id(%barrier3A)
    %scan3A = arith.constant 0 : i32
    %scan3A_5 = arith.constant 18 : i32
    %scan3A_6 = arith.addi %scan3A, %scan3A_5 : i32
    %scan3A_7 = arith.constant 1 : i32
    scf.for %scan3A_38 = %scan3A to %scan3A_6 step %scan3A_7  : i32 {
      %mul3A_39 = arith.constant 1 : i32
      %mul3A_40 = arith.muli %scan3A_38, %mul3A_39 : i32
      %add3A_41 = arith.constant 0 : i32
      %add3A_42 = arith.addi %add3A_41, %mul3A_40 : i32
      %mul3A_43 = arith.constant 3 : i32
      %mul3A_44 = arith.muli %add3A_42, %mul3A_43 : i32
      %add3A_45 = arith.constant 0 : i32
      %add3A_46 = arith.addi %mul3A_44, %add3A_45 : i32
      %ge3A = arith.constant 3 : i32
      %ge3A_47 = arith.cmpi sge, %add3A_46, %ge3A : i32
      %lt3A = arith.constant 50 : i32
      %lt3A_48 = arith.cmpi slt, %add3A_46, %lt3A : i32
      %and3A = arith.andi %ge3A_47, %lt3A_48 : i1
      %convert_element_type3A_49 = arith.extui %and3A : i1 to i32
      %cond3A_50 = arith.constant 0 : i32
      %cond3A_51 = arith.cmpi ne, %convert_element_type3A_49, %cond3A_50 : i32
      scf.if %cond3A_51 {
        %sub3A_150 = arith.constant 3 : i32
        %sub3A_151 = arith.subi %add3A_46, %sub3A_150 : i32
        %mul3A_152 = arith.constant 512 : i32
        %mul3A_153 = arith.muli %sub3A_151, %mul3A_152 : i32
        %add3A_154 = arith.addi %mul3A_2, %mul3A_153 : i32
        %dma_wait3A_155 = arith.constant 0 : i32
        %dma_wait3A_156 = tpu.memref_slice %arg13[%dma_wait3A_155] : memref<3x!tpu.dma_semaphore, #tpu.memory_space<semaphore_mem>> -> memref<1x!tpu.dma_semaphore, #tpu.memory_space<semaphore_mem>>
        %dma_wait3A_157 = tpu.memref_squeeze %dma_wait3A_156 : memref<1x!tpu.dma_semaphore, #tpu.memory_space<semaphore_mem>> -> memref<!tpu.dma_semaphore, #tpu.memory_space<semaphore_mem>>
        %dma_wait3A_158 = arith.constant 0 : i32
        %dma_wait3A_159 = tpu.memref_slice %arg6[%add3A_154, %dma_wait3A_158] : memref<819200x64xf32, #tpu.memory_space<hbm>> -> memref<512x64xf32, #tpu.memory_space<hbm>>
        %dma_wait3A_160 = arith.constant 0 : i32
        %dma_wait3A_161 = arith.constant 0 : i32
        %dma_wait3A_162 = tpu.memref_slice %arg4[%dma_wait3A_160, %dma_wait3A_161] : memref<1000000x64xf32, #tpu.memory_space<hbm>> -> memref<512x64xf32, #tpu.memory_space<hbm>>
        tpu.wait_dma2 semaphore(%dma_wait3A_157 : memref<!tpu.dma_semaphore, #tpu.memory_space<semaphore_mem>>) src(%dma_wait3A_162 : memref<512x64xf32, #tpu.memory_space<hbm>>) dst(%dma_wait3A_159 : memref<512x64xf32, #tpu.memory_space<hbm>>)
      } else {
      }
      %lt3A_52 = arith.constant 50 : i32
      %lt3A_53 = arith.cmpi slt, %add3A_46, %lt3A_52 : i32
      %convert_element_type3A_54 = arith.extui %lt3A_53 : i1 to i32
      %cond3A_55 = arith.constant 0 : i32
      %cond3A_56 = arith.cmpi ne, %convert_element_type3A_54, %cond3A_55 : i32
      scf.if %cond3A_56 {
        %mul3A_150 = arith.constant 512 : i32
        %mul3A_151 = arith.muli %add3A_46, %mul3A_150 : i32
        %add3A_152 = arith.addi %mul3A_2, %mul3A_151 : i32
        %jit3A = arith.constant 128 : i32
        %div3A = arith.divsi %add3A_152, %jit3A : i32
        %sign3A = arith.constant 0 : i32
        %sign3A_153 = arith.cmpi sgt, %add3A_152, %sign3A : i32
        %sign3A_154 = arith.extui %sign3A_153 : i1 to i32
        %sign3A_155 = arith.constant 0 : i32
        %sign3A_156 = arith.cmpi slt, %add3A_152, %sign3A_155 : i32
        %sign3A_157 = arith.extui %sign3A_156 : i1 to i32
        %sign3A_158 = arith.subi %sign3A_154, %sign3A_157 : i32
        %sign3A_159 = arith.constant 0 : i32
        %sign3A_160 = arith.cmpi sgt, %jit3A, %sign3A_159 : i32
        %sign3A_161 = arith.extui %sign3A_160 : i1 to i32
        %sign3A_162 = arith.constant 0 : i32
        %sign3A_163 = arith.cmpi slt, %jit3A, %sign3A_162 : i32
        %sign3A_164 = arith.extui %sign3A_163 : i1 to i32
        %sign3A_165 = arith.subi %sign3A_161, %sign3A_164 : i32
        %ne3A = arith.cmpi ne, %sign3A_158, %sign3A_165 : i32
        %rem3A = arith.remsi %add3A_152, %jit3A : i32
        %ne3A_166 = arith.constant 0 : i32
        %ne3A_167 = arith.cmpi ne, %rem3A, %ne3A_166 : i32
        %and3A_168 = arith.andi %ne3A, %ne3A_167 : i1
        %sub3A_169 = arith.constant 1 : i32
        %sub3A_170 = arith.subi %div3A, %sub3A_169 : i32
        %select_n3A = arith.select %and3A_168, %sub3A_170, %div3A : i32
        %run_scoped3A = arith.constant 0 : i32
        "tpu.region"() ({
          %run_scoped3A_235 = tpu.sem_alloc : memref<!tpu.dma_semaphore, #tpu.memory_space<semaphore_mem>>
          %dma_start3A_236 = arith.constant 0 : i32
          %dma_start3A_237 = arith.constant 0 : i32
          %dma_start3A_238 = tpu.memref_slice %arg7[%run_scoped3A, %dma_start3A_236, %dma_start3A_237] : memref<3x4x128xi32, #tpu.memory_space<vmem>> -> memref<1x4x128xi32, #tpu.memory_space<vmem>>
          %dma_start3A_239 = tpu.memref_squeeze %dma_start3A_238 : memref<1x4x128xi32, #tpu.memory_space<vmem>> -> memref<4x128xi32, #tpu.memory_space<vmem>>
          %dma_start3A_240 = arith.constant 0 : i32
          %dma_start3A_241 = tpu.memref_slice %arg2[%select_n3A, %dma_start3A_240] : memref<6400x128xi32, #tpu.memory_space<hbm>> -> memref<4x128xi32, #tpu.memory_space<hbm>>
          %dma_start3A_242 = arith.constant 0 : i32
          %dma_start3A_243 = arith.constant 0 : i32
          %dma_start3A_244 = tpu.memref_slice %arg7[%run_scoped3A, %dma_start3A_242, %dma_start3A_243] : memref<3x4x128xi32, #tpu.memory_space<vmem>> -> memref<1x4x128xi32, #tpu.memory_space<vmem>>
          %dma_start3A_245 = tpu.memref_squeeze %dma_start3A_244 : memref<1x4x128xi32, #tpu.memory_space<vmem>> -> memref<4x128xi32, #tpu.memory_space<vmem>>
          %dma_start3A_246 = arith.constant 0 : i32
          %dma_start3A_247 = tpu.memref_slice %arg2[%select_n3A, %dma_start3A_246] : memref<6400x128xi32, #tpu.memory_space<hbm>> -> memref<4x128xi32, #tpu.memory_space<hbm>>
          tpu.enqueue_dma source(%dma_start3A_247 : memref<4x128xi32, #tpu.memory_space<hbm>>) target(%dma_start3A_245 : memref<4x128xi32, #tpu.memory_space<vmem>>) target_semaphore(%run_scoped3A_235 : memref<!tpu.dma_semaphore, #tpu.memory_space<semaphore_mem>>)
          %dma_wait3A_248 = arith.constant 0 : i32
          %dma_wait3A_249 = arith.constant 0 : i32
          %dma_wait3A_250 = tpu.memref_slice %arg7[%run_scoped3A, %dma_wait3A_248, %dma_wait3A_249] : memref<3x4x128xi32, #tpu.memory_space<vmem>> -> memref<1x4x128xi32, #tpu.memory_space<vmem>>
          %dma_wait3A_251 = tpu.memref_squeeze %dma_wait3A_250 : memref<1x4x128xi32, #tpu.memory_space<vmem>> -> memref<4x128xi32, #tpu.memory_space<vmem>>
          %dma_wait3A_252 = arith.constant 0 : i32
          %dma_wait3A_253 = tpu.memref_slice %arg2[%select_n3A, %dma_wait3A_252] : memref<6400x128xi32, #tpu.memory_space<hbm>> -> memref<4x128xi32, #tpu.memory_space<hbm>>
          %dma_wait3A_254 = arith.constant 0 : i32
          %dma_wait3A_255 = arith.constant 0 : i32
          %dma_wait3A_256 = tpu.memref_slice %arg7[%run_scoped3A, %dma_wait3A_254, %dma_wait3A_255] : memref<3x4x128xi32, #tpu.memory_space<vmem>> -> memref<1x4x128xi32, #tpu.memory_space<vmem>>
          %dma_wait3A_257 = tpu.memref_squeeze %dma_wait3A_256 : memref<1x4x128xi32, #tpu.memory_space<vmem>> -> memref<4x128xi32, #tpu.memory_space<vmem>>
          %dma_wait3A_258 = arith.constant 0 : i32
          %dma_wait3A_259 = tpu.memref_slice %arg2[%select_n3A, %dma_wait3A_258] : memref<6400x128xi32, #tpu.memory_space<hbm>> -> memref<4x128xi32, #tpu.memory_space<hbm>>
          tpu.wait_dma2 semaphore(%run_scoped3A_235 : memref<!tpu.dma_semaphore, #tpu.memory_space<semaphore_mem>>) src(%dma_wait3A_259 : memref<4x128xi32, #tpu.memory_space<hbm>>) dst(%dma_wait3A_257 : memref<4x128xi32, #tpu.memory_space<vmem>>)
          tpu.yield
        }) : () -> ()
        %run_scoped3A_171 = arith.constant 0 : i32
        "tpu.region"() ({
          %run_scoped3A_235 = tpu.sem_alloc : memref<!tpu.dma_semaphore, #tpu.memory_space<semaphore_mem>>
          %dma_start3A_236 = arith.constant 0 : i32
          %dma_start3A_237 = arith.constant 0 : i32
          %dma_start3A_238 = tpu.memref_slice %arg8[%run_scoped3A_171, %dma_start3A_236, %dma_start3A_237] : memref<3x4x128xi32, #tpu.memory_space<vmem>> -> memref<1x4x128xi32, #tpu.memory_space<vmem>>
          %dma_start3A_239 = tpu.memref_squeeze %dma_start3A_238 : memref<1x4x128xi32, #tpu.memory_space<vmem>> -> memref<4x128xi32, #tpu.memory_space<vmem>>
          %dma_start3A_240 = arith.constant 0 : i32
          %dma_start3A_241 = tpu.memref_slice %arg3[%select_n3A, %dma_start3A_240] : memref<6400x128xi32, #tpu.memory_space<hbm>> -> memref<4x128xi32, #tpu.memory_space<hbm>>
          %dma_start3A_242 = arith.constant 0 : i32
          %dma_start3A_243 = arith.constant 0 : i32
          %dma_start3A_244 = tpu.memref_slice %arg8[%run_scoped3A_171, %dma_start3A_242, %dma_start3A_243] : memref<3x4x128xi32, #tpu.memory_space<vmem>> -> memref<1x4x128xi32, #tpu.memory_space<vmem>>
          %dma_start3A_245 = tpu.memref_squeeze %dma_start3A_244 : memref<1x4x128xi32, #tpu.memory_space<vmem>> -> memref<4x128xi32, #tpu.memory_space<vmem>>
          %dma_start3A_246 = arith.constant 0 : i32
          %dma_start3A_247 = tpu.memref_slice %arg3[%select_n3A, %dma_start3A_246] : memref<6400x128xi32, #tpu.memory_space<hbm>> -> memref<4x128xi32, #tpu.memory_space<hbm>>
          tpu.enqueue_dma source(%dma_start3A_247 : memref<4x128xi32, #tpu.memory_space<hbm>>) target(%dma_start3A_245 : memref<4x128xi32, #tpu.memory_space<vmem>>) target_semaphore(%run_scoped3A_235 : memref<!tpu.dma_semaphore, #tpu.memory_space<semaphore_mem>>)
          %dma_wait3A_248 = arith.constant 0 : i32
          %dma_wait3A_249 = arith.constant 0 : i32
          %dma_wait3A_250 = tpu.memref_slice %arg8[%run_scoped3A_171, %dma_wait3A_248, %dma_wait3A_249] : memref<3x4x128xi32, #tpu.memory_space<vmem>> -> memref<1x4x128xi32, #tpu.memory_space<vmem>>
          %dma_wait3A_251 = tpu.memref_squeeze %dma_wait3A_250 : memref<1x4x128xi32, #tpu.memory_space<vmem>> -> memref<4x128xi32, #tpu.memory_space<vmem>>
          %dma_wait3A_252 = arith.constant 0 : i32
          %dma_wait3A_253 = tpu.memref_slice %arg3[%select_n3A, %dma_wait3A_252] : memref<6400x128xi32, #tpu.memory_space<hbm>> -> memref<4x128xi32, #tpu.memory_space<hbm>>
          %dma_wait3A_254 = arith.constant 0 : i32
          %dma_wait3A_255 = arith.constant 0 : i32
          %dma_wait3A_256 = tpu.memref_slice %arg8[%run_scoped3A_171, %dma_wait3A_254, %dma_wait3A_255] : memref<3x4x128xi32, #tpu.memory_space<vmem>> -> memref<1x4x128xi32, #tpu.memory_space<vmem>>
          %dma_wait3A_257 = tpu.memref_squeeze %dma_wait3A_256 : memref<1x4x128xi32, #tpu.memory_space<vmem>> -> memref<4x128xi32, #tpu.memory_space<vmem>>
          %dma_wait3A_258 = arith.constant 0 : i32
          %dma_wait3A_259 = tpu.memref_slice %arg3[%select_n3A, %dma_wait3A_258] : memref<6400x128xi32, #tpu.memory_space<hbm>> -> memref<4x128xi32, #tpu.memory_space<hbm>>
          tpu.wait_dma2 semaphore(%run_scoped3A_235 : memref<!tpu.dma_semaphore, #tpu.memory_space<semaphore_mem>>) src(%dma_wait3A_259 : memref<4x128xi32, #tpu.memory_space<hbm>>) dst(%dma_wait3A_257 : memref<4x128xi32, #tpu.memory_space<vmem>>)
          tpu.yield
        }) : () -> ()
        %dma_start3A = arith.constant 0 : i32
        %dma_start3A_172 = arith.constant 0 : i32
        %dma_start3A_173 = arith.constant 0 : i32
        %dma_start3A_174 = arith.constant 0 : i32
        %dma_start3A_175 = arith.constant 0 : i32
        %dma_start3A_176 = arith.constant 0 : i32
        %dma_start3A_177 = tpu.memref_slice %arg10[%dma_start3A_173, %dma_start3A_175, %dma_start3A_176] : memref<3x512x64xf32, #tpu.memory_space<vmem>> -> memref<1x128x64xf32, #tpu.memory_space<vmem>>
        %dma_start3A_178 = tpu.memref_squeeze %dma_start3A_177 : memref<1x128x64xf32, #tpu.memory_space<vmem>> -> memref<128x64xf32, #tpu.memory_space<vmem>>
        %dma_start3A_179 = arith.constant 0 : i32
        %dma_start3A_180 = tpu.memref_slice %arg7[%dma_start3A, %dma_start3A_172, %dma_start3A_179] : memref<3x4x128xi32, #tpu.memory_space<vmem>> -> memref<1x1x128xi32, #tpu.memory_space<vmem>>
        %dma_start3A_181 = tpu.memref_squeeze %dma_start3A_180 : memref<1x1x128xi32, #tpu.memory_space<vmem>> -> memref<128xi32, #tpu.memory_space<vmem>>
        %dma_start3A_182 = arith.constant 0 : i32
        %dma_start3A_183 = arith.constant 0 : i32
        %dma_start3A_184 = tpu.memref_slice %arg4[%dma_start3A_182, %dma_start3A_183] : memref<1000000x64xf32, #tpu.memory_space<hbm>> -> memref<1000000x64xf32, #tpu.memory_space<hbm>>
        %dma_start3A_185 = tpu.memref_slice %arg11[%dma_start3A_174] : memref<3x!tpu.dma_semaphore, #tpu.memory_space<semaphore_mem>> -> memref<1x!tpu.dma_semaphore, #tpu.memory_space<semaphore_mem>>
        %dma_start3A_186 = tpu.memref_squeeze %dma_start3A_185 : memref<1x!tpu.dma_semaphore, #tpu.memory_space<semaphore_mem>> -> memref<!tpu.dma_semaphore, #tpu.memory_space<semaphore_mem>>
        tpu.enqueue_indirect_dma source(%dma_start3A_184 : memref<1000000x64xf32, #tpu.memory_space<hbm>>) target(%dma_start3A_178 : memref<128x64xf32, #tpu.memory_space<vmem>>) offsets(%dma_start3A_181 : memref<128xi32, #tpu.memory_space<vmem>>) semaphore(%dma_start3A_186 : memref<!tpu.dma_semaphore, #tpu.memory_space<semaphore_mem>>)
        %dma_start3A_187 = arith.constant 0 : i32
        %dma_start3A_188 = arith.constant 1 : i32
        %dma_start3A_189 = arith.constant 0 : i32
        %dma_start3A_190 = arith.constant 0 : i32
        %dma_start3A_191 = arith.constant 128 : i32
        %dma_start3A_192 = arith.constant 0 : i32
        %dma_start3A_193 = tpu.memref_slice %arg10[%dma_start3A_189, %dma_start3A_191, %dma_start3A_192] : memref<3x512x64xf32, #tpu.memory_space<vmem>> -> memref<1x128x64xf32, #tpu.memory_space<vmem>>
        %dma_start3A_194 = tpu.memref_squeeze %dma_start3A_193 : memref<1x128x64xf32, #tpu.memory_space<vmem>> -> memref<128x64xf32, #tpu.memory_space<vmem>>
        %dma_start3A_195 = arith.constant 0 : i32
        %dma_start3A_196 = tpu.memref_slice %arg7[%dma_start3A_187, %dma_start3A_188, %dma_start3A_195] : memref<3x4x128xi32, #tpu.memory_space<vmem>> -> memref<1x1x128xi32, #tpu.memory_space<vmem>>
        %dma_start3A_197 = tpu.memref_squeeze %dma_start3A_196 : memref<1x1x128xi32, #tpu.memory_space<vmem>> -> memref<128xi32, #tpu.memory_space<vmem>>
        %dma_start3A_198 = arith.constant 0 : i32
        %dma_start3A_199 = arith.constant 0 : i32
        %dma_start3A_200 = tpu.memref_slice %arg4[%dma_start3A_198, %dma_start3A_199] : memref<1000000x64xf32, #tpu.memory_space<hbm>> -> memref<1000000x64xf32, #tpu.memory_space<hbm>>
        %dma_start3A_201 = tpu.memref_slice %arg11[%dma_start3A_190] : memref<3x!tpu.dma_semaphore, #tpu.memory_space<semaphore_mem>> -> memref<1x!tpu.dma_semaphore, #tpu.memory_space<semaphore_mem>>
        %dma_start3A_202 = tpu.memref_squeeze %dma_start3A_201 : memref<1x!tpu.dma_semaphore, #tpu.memory_space<semaphore_mem>> -> memref<!tpu.dma_semaphore, #tpu.memory_space<semaphore_mem>>
        tpu.enqueue_indirect_dma source(%dma_start3A_200 : memref<1000000x64xf32, #tpu.memory_space<hbm>>) target(%dma_start3A_194 : memref<128x64xf32, #tpu.memory_space<vmem>>) offsets(%dma_start3A_197 : memref<128xi32, #tpu.memory_space<vmem>>) semaphore(%dma_start3A_202 : memref<!tpu.dma_semaphore, #tpu.memory_space<semaphore_mem>>)
        %dma_start3A_203 = arith.constant 0 : i32
        %dma_start3A_204 = arith.constant 2 : i32
        %dma_start3A_205 = arith.constant 0 : i32
        %dma_start3A_206 = arith.constant 0 : i32
        %dma_start3A_207 = arith.constant 256 : i32
        %dma_start3A_208 = arith.constant 0 : i32
        %dma_start3A_209 = tpu.memref_slice %arg10[%dma_start3A_205, %dma_start3A_207, %dma_start3A_208] : memref<3x512x64xf32, #tpu.memory_space<vmem>> -> memref<1x128x64xf32, #tpu.memory_space<vmem>>
        %dma_start3A_210 = tpu.memref_squeeze %dma_start3A_209 : memref<1x128x64xf32, #tpu.memory_space<vmem>> -> memref<128x64xf32, #tpu.memory_space<vmem>>
        %dma_start3A_211 = arith.constant 0 : i32
        %dma_start3A_212 = tpu.memref_slice %arg7[%dma_start3A_203, %dma_start3A_204, %dma_start3A_211] : memref<3x4x128xi32, #tpu.memory_space<vmem>> -> memref<1x1x128xi32, #tpu.memory_space<vmem>>
        %dma_start3A_213 = tpu.memref_squeeze %dma_start3A_212 : memref<1x1x128xi32, #tpu.memory_space<vmem>> -> memref<128xi32, #tpu.memory_space<vmem>>
        %dma_start3A_214 = arith.constant 0 : i32
        %dma_start3A_215 = arith.constant 0 : i32
        %dma_start3A_216 = tpu.memref_slice %arg4[%dma_start3A_214, %dma_start3A_215] : memref<1000000x64xf32, #tpu.memory_space<hbm>> -> memref<1000000x64xf32, #tpu.memory_space<hbm>>
        %dma_start3A_217 = tpu.memref_slice %arg11[%dma_start3A_206] : memref<3x!tpu.dma_semaphore, #tpu.memory_space<semaphore_mem>> -> memref<1x!tpu.dma_semaphore, #tpu.memory_space<semaphore_mem>>
        %dma_start3A_218 = tpu.memref_squeeze %dma_start3A_217 : memref<1x!tpu.dma_semaphore, #tpu.memory_space<semaphore_mem>> -> memref<!tpu.dma_semaphore, #tpu.memory_space<semaphore_mem>>
        tpu.enqueue_indirect_dma source(%dma_start3A_216 : memref<1000000x64xf32, #tpu.memory_space<hbm>>) target(%dma_start3A_210 : memref<128x64xf32, #tpu.memory_space<vmem>>) offsets(%dma_start3A_213 : memref<128xi32, #tpu.memory_space<vmem>>) semaphore(%dma_start3A_218 : memref<!tpu.dma_semaphore, #tpu.memory_space<semaphore_mem>>)
        %dma_start3A_219 = arith.constant 0 : i32
        %dma_start3A_220 = arith.constant 3 : i32
        %dma_start3A_221 = arith.constant 0 : i32
        %dma_start3A_222 = arith.constant 0 : i32
        %dma_start3A_223 = arith.constant 384 : i32
        %dma_start3A_224 = arith.constant 0 : i32
        %dma_start3A_225 = tpu.memref_slice %arg10[%dma_start3A_221, %dma_start3A_223, %dma_start3A_224] : memref<3x512x64xf32, #tpu.memory_space<vmem>> -> memref<1x128x64xf32, #tpu.memory_space<vmem>>
        %dma_start3A_226 = tpu.memref_squeeze %dma_start3A_225 : memref<1x128x64xf32, #tpu.memory_space<vmem>> -> memref<128x64xf32, #tpu.memory_space<vmem>>
        %dma_start3A_227 = arith.constant 0 : i32
        %dma_start3A_228 = tpu.memref_slice %arg7[%dma_start3A_219, %dma_start3A_220, %dma_start3A_227] : memref<3x4x128xi32, #tpu.memory_space<vmem>> -> memref<1x1x128xi32, #tpu.memory_space<vmem>>
        %dma_start3A_229 = tpu.memref_squeeze %dma_start3A_228 : memref<1x1x128xi32, #tpu.memory_space<vmem>> -> memref<128xi32, #tpu.memory_space<vmem>>
        %dma_start3A_230 = arith.constant 0 : i32
        %dma_start3A_231 = arith.constant 0 : i32
        %dma_start3A_232 = tpu.memref_slice %arg4[%dma_start3A_230, %dma_start3A_231] : memref<1000000x64xf32, #tpu.memory_space<hbm>> -> memref<1000000x64xf32, #tpu.memory_space<hbm>>
        %dma_start3A_233 = tpu.memref_slice %arg11[%dma_start3A_222] : memref<3x!tpu.dma_semaphore, #tpu.memory_space<semaphore_mem>> -> memref<1x!tpu.dma_semaphore, #tpu.memory_space<semaphore_mem>>
        %dma_start3A_234 = tpu.memref_squeeze %dma_start3A_233 : memref<1x!tpu.dma_semaphore, #tpu.memory_space<semaphore_mem>> -> memref<!tpu.dma_semaphore, #tpu.memory_space<semaphore_mem>>
        tpu.enqueue_indirect_dma source(%dma_start3A_232 : memref<1000000x64xf32, #tpu.memory_space<hbm>>) target(%dma_start3A_226 : memref<128x64xf32, #tpu.memory_space<vmem>>) offsets(%dma_start3A_229 : memref<128xi32, #tpu.memory_space<vmem>>) semaphore(%dma_start3A_234 : memref<!tpu.dma_semaphore, #tpu.memory_space<semaphore_mem>>)
      } else {
      }
      %ge3A_57 = arith.constant 1 : i32
      %ge3A_58 = arith.cmpi sge, %add3A_46, %ge3A_57 : i32
      %sub3A = arith.constant 1 : i32
      %sub3A_59 = arith.subi %add3A_46, %sub3A : i32
      %lt3A_60 = arith.constant 50 : i32
      %lt3A_61 = arith.cmpi slt, %sub3A_59, %lt3A_60 : i32
      %and3A_62 = arith.andi %ge3A_58, %lt3A_61 : i1
      %convert_element_type3A_63 = arith.extui %and3A_62 : i1 to i32
      %cond3A_64 = arith.constant 0 : i32
      %cond3A_65 = arith.cmpi ne, %convert_element_type3A_63, %cond3A_64 : i32
      scf.if %cond3A_65 {
        %dma_wait3A_150 = arith.constant 2 : i32
        %dma_wait3A_151 = arith.constant 2 : i32
        %dma_wait3A_152 = arith.constant 0 : i32
        %dma_wait3A_153 = arith.constant 0 : i32
        %dma_wait3A_154 = tpu.memref_slice %arg10[%dma_wait3A_150, %dma_wait3A_152, %dma_wait3A_153] : memref<3x512x64xf32, #tpu.memory_space<vmem>> -> memref<1x512x64xf32, #tpu.memory_space<vmem>>
        %dma_wait3A_155 = tpu.memref_squeeze %dma_wait3A_154 : memref<1x512x64xf32, #tpu.memory_space<vmem>> -> memref<512x64xf32, #tpu.memory_space<vmem>>
        %dma_wait3A_156 = arith.constant 0 : i32
        %dma_wait3A_157 = arith.constant 0 : i32
        %dma_wait3A_158 = tpu.memref_slice %arg4[%dma_wait3A_156, %dma_wait3A_157] : memref<1000000x64xf32, #tpu.memory_space<hbm>> -> memref<512x64xf32, #tpu.memory_space<hbm>>
        %dma_wait3A_159 = tpu.memref_slice %arg11[%dma_wait3A_151] : memref<3x!tpu.dma_semaphore, #tpu.memory_space<semaphore_mem>> -> memref<1x!tpu.dma_semaphore, #tpu.memory_space<semaphore_mem>>
        %dma_wait3A_160 = tpu.memref_squeeze %dma_wait3A_159 : memref<1x!tpu.dma_semaphore, #tpu.memory_space<semaphore_mem>> -> memref<!tpu.dma_semaphore, #tpu.memory_space<semaphore_mem>>
        %dma_wait3A_161 = arith.constant 0 : i32
        %dma_wait3A_162 = arith.constant 0 : i32
        %dma_wait3A_163 = tpu.memref_slice %arg10[%dma_wait3A_150, %dma_wait3A_161, %dma_wait3A_162] : memref<3x512x64xf32, #tpu.memory_space<vmem>> -> memref<1x512x64xf32, #tpu.memory_space<vmem>>
        %dma_wait3A_164 = tpu.memref_squeeze %dma_wait3A_163 : memref<1x512x64xf32, #tpu.memory_space<vmem>> -> memref<512x64xf32, #tpu.memory_space<vmem>>
        %dma_wait3A_165 = arith.constant 0 : i32
        %dma_wait3A_166 = arith.constant 0 : i32
        %dma_wait3A_167 = tpu.memref_slice %arg4[%dma_wait3A_165, %dma_wait3A_166] : memref<1000000x64xf32, #tpu.memory_space<hbm>> -> memref<512x64xf32, #tpu.memory_space<hbm>>
        tpu.wait_dma2 semaphore(%dma_wait3A_160 : memref<!tpu.dma_semaphore, #tpu.memory_space<semaphore_mem>>) src(%dma_wait3A_167 : memref<512x64xf32, #tpu.memory_space<hbm>>) dst(%dma_wait3A_164 : memref<512x64xf32, #tpu.memory_space<vmem>>)
        %dma_start3A = arith.constant 2 : i32
        %dma_start3A_168 = arith.constant 0 : i32
        %dma_start3A_169 = arith.constant 2 : i32
        %dma_start3A_170 = arith.constant 2 : i32
        %dma_start3A_171 = arith.constant 0 : i32
        %dma_start3A_172 = arith.constant 0 : i32
        %dma_start3A_173 = tpu.memref_slice %arg10[%dma_start3A_169, %dma_start3A_171, %dma_start3A_172] : memref<3x512x64xf32, #tpu.memory_space<vmem>> -> memref<1x128x64xf32, #tpu.memory_space<vmem>>
        %dma_start3A_174 = tpu.memref_squeeze %dma_start3A_173 : memref<1x128x64xf32, #tpu.memory_space<vmem>> -> memref<128x64xf32, #tpu.memory_space<vmem>>
        %dma_start3A_175 = arith.constant 0 : i32
        %dma_start3A_176 = tpu.memref_slice %arg8[%dma_start3A, %dma_start3A_168, %dma_start3A_175] : memref<3x4x128xi32, #tpu.memory_space<vmem>> -> memref<1x1x128xi32, #tpu.memory_space<vmem>>
        %dma_start3A_177 = tpu.memref_squeeze %dma_start3A_176 : memref<1x1x128xi32, #tpu.memory_space<vmem>> -> memref<128xi32, #tpu.memory_space<vmem>>
        %dma_start3A_178 = arith.constant 0 : i32
        %dma_start3A_179 = arith.constant 0 : i32
        %dma_start3A_180 = tpu.memref_slice %arg9[%dma_start3A_178, %dma_start3A_179] : memref<200x64xf32, #tpu.memory_space<vmem_shared>> -> memref<200x64xf32, #tpu.memory_space<vmem_shared>>
        %dma_start3A_181 = tpu.memref_slice %arg12[%dma_start3A_170] : memref<3x!tpu.dma_semaphore, #tpu.memory_space<semaphore_mem>> -> memref<1x!tpu.dma_semaphore, #tpu.memory_space<semaphore_mem>>
        %dma_start3A_182 = tpu.memref_squeeze %dma_start3A_181 : memref<1x!tpu.dma_semaphore, #tpu.memory_space<semaphore_mem>> -> memref<!tpu.dma_semaphore, #tpu.memory_space<semaphore_mem>>
        tpu.enqueue_indirect_dma source(%dma_start3A_180 : memref<200x64xf32, #tpu.memory_space<vmem_shared>>) target(%dma_start3A_174 : memref<128x64xf32, #tpu.memory_space<vmem>>) offsets(%dma_start3A_177 : memref<128xi32, #tpu.memory_space<vmem>>) semaphore(%dma_start3A_182 : memref<!tpu.dma_semaphore, #tpu.memory_space<semaphore_mem>>) {add = true}
        %dma_start3A_183 = arith.constant 2 : i32
        %dma_start3A_184 = arith.constant 1 : i32
        %dma_start3A_185 = arith.constant 2 : i32
        %dma_start3A_186 = arith.constant 2 : i32
        %dma_start3A_187 = arith.constant 128 : i32
        %dma_start3A_188 = arith.constant 0 : i32
        %dma_start3A_189 = tpu.memref_slice %arg10[%dma_start3A_185, %dma_start3A_187, %dma_start3A_188] : memref<3x512x64xf32, #tpu.memory_space<vmem>> -> memref<1x128x64xf32, #tpu.memory_space<vmem>>
        %dma_start3A_190 = tpu.memref_squeeze %dma_start3A_189 : memref<1x128x64xf32, #tpu.memory_space<vmem>> -> memref<128x64xf32, #tpu.memory_space<vmem>>
        %dma_start3A_191 = arith.constant 0 : i32
        %dma_start3A_192 = tpu.memref_slice %arg8[%dma_start3A_183, %dma_start3A_184, %dma_start3A_191] : memref<3x4x128xi32, #tpu.memory_space<vmem>> -> memref<1x1x128xi32, #tpu.memory_space<vmem>>
        %dma_start3A_193 = tpu.memref_squeeze %dma_start3A_192 : memref<1x1x128xi32, #tpu.memory_space<vmem>> -> memref<128xi32, #tpu.memory_space<vmem>>
        %dma_start3A_194 = arith.constant 0 : i32
        %dma_start3A_195 = arith.constant 0 : i32
        %dma_start3A_196 = tpu.memref_slice %arg9[%dma_start3A_194, %dma_start3A_195] : memref<200x64xf32, #tpu.memory_space<vmem_shared>> -> memref<200x64xf32, #tpu.memory_space<vmem_shared>>
        %dma_start3A_197 = tpu.memref_slice %arg12[%dma_start3A_186] : memref<3x!tpu.dma_semaphore, #tpu.memory_space<semaphore_mem>> -> memref<1x!tpu.dma_semaphore, #tpu.memory_space<semaphore_mem>>
        %dma_start3A_198 = tpu.memref_squeeze %dma_start3A_197 : memref<1x!tpu.dma_semaphore, #tpu.memory_space<semaphore_mem>> -> memref<!tpu.dma_semaphore, #tpu.memory_space<semaphore_mem>>
        tpu.enqueue_indirect_dma source(%dma_start3A_196 : memref<200x64xf32, #tpu.memory_space<vmem_shared>>) target(%dma_start3A_190 : memref<128x64xf32, #tpu.memory_space<vmem>>) offsets(%dma_start3A_193 : memref<128xi32, #tpu.memory_space<vmem>>) semaphore(%dma_start3A_198 : memref<!tpu.dma_semaphore, #tpu.memory_space<semaphore_mem>>) {add = true}
        %dma_start3A_199 = arith.constant 2 : i32
        %dma_start3A_200 = arith.constant 2 : i32
        %dma_start3A_201 = arith.constant 2 : i32
        %dma_start3A_202 = arith.constant 2 : i32
        %dma_start3A_203 = arith.constant 256 : i32
        %dma_start3A_204 = arith.constant 0 : i32
        %dma_start3A_205 = tpu.memref_slice %arg10[%dma_start3A_201, %dma_start3A_203, %dma_start3A_204] : memref<3x512x64xf32, #tpu.memory_space<vmem>> -> memref<1x128x64xf32, #tpu.memory_space<vmem>>
        %dma_start3A_206 = tpu.memref_squeeze %dma_start3A_205 : memref<1x128x64xf32, #tpu.memory_space<vmem>> -> memref<128x64xf32, #tpu.memory_space<vmem>>
        %dma_start3A_207 = arith.constant 0 : i32
        %dma_start3A_208 = tpu.memref_slice %arg8[%dma_start3A_199, %dma_start3A_200, %dma_start3A_207] : memref<3x4x128xi32, #tpu.memory_space<vmem>> -> memref<1x1x128xi32, #tpu.memory_space<vmem>>
        %dma_start3A_209 = tpu.memref_squeeze %dma_start3A_208 : memref<1x1x128xi32, #tpu.memory_space<vmem>> -> memref<128xi32, #tpu.memory_space<vmem>>
        %dma_start3A_210 = arith.constant 0 : i32
        %dma_start3A_211 = arith.constant 0 : i32
        %dma_start3A_212 = tpu.memref_slice %arg9[%dma_start3A_210, %dma_start3A_211] : memref<200x64xf32, #tpu.memory_space<vmem_shared>> -> memref<200x64xf32, #tpu.memory_space<vmem_shared>>
        %dma_start3A_213 = tpu.memref_slice %arg12[%dma_start3A_202] : memref<3x!tpu.dma_semaphore, #tpu.memory_space<semaphore_mem>> -> memref<1x!tpu.dma_semaphore, #tpu.memory_space<semaphore_mem>>
        %dma_start3A_214 = tpu.memref_squeeze %dma_start3A_213 : memref<1x!tpu.dma_semaphore, #tpu.memory_space<semaphore_mem>> -> memref<!tpu.dma_semaphore, #tpu.memory_space<semaphore_mem>>
        tpu.enqueue_indirect_dma source(%dma_start3A_212 : memref<200x64xf32, #tpu.memory_space<vmem_shared>>) target(%dma_start3A_206 : memref<128x64xf32, #tpu.memory_space<vmem>>) offsets(%dma_start3A_209 : memref<128xi32, #tpu.memory_space<vmem>>) semaphore(%dma_start3A_214 : memref<!tpu.dma_semaphore, #tpu.memory_space<semaphore_mem>>) {add = true}
        %dma_start3A_215 = arith.constant 2 : i32
        %dma_start3A_216 = arith.constant 3 : i32
        %dma_start3A_217 = arith.constant 2 : i32
        %dma_start3A_218 = arith.constant 2 : i32
        %dma_start3A_219 = arith.constant 384 : i32
        %dma_start3A_220 = arith.constant 0 : i32
        %dma_start3A_221 = tpu.memref_slice %arg10[%dma_start3A_217, %dma_start3A_219, %dma_start3A_220] : memref<3x512x64xf32, #tpu.memory_space<vmem>> -> memref<1x128x64xf32, #tpu.memory_space<vmem>>
        %dma_start3A_222 = tpu.memref_squeeze %dma_start3A_221 : memref<1x128x64xf32, #tpu.memory_space<vmem>> -> memref<128x64xf32, #tpu.memory_space<vmem>>
        %dma_start3A_223 = arith.constant 0 : i32
        %dma_start3A_224 = tpu.memref_slice %arg8[%dma_start3A_215, %dma_start3A_216, %dma_start3A_223] : memref<3x4x128xi32, #tpu.memory_space<vmem>> -> memref<1x1x128xi32, #tpu.memory_space<vmem>>
        %dma_start3A_225 = tpu.memref_squeeze %dma_start3A_224 : memref<1x1x128xi32, #tpu.memory_space<vmem>> -> memref<128xi32, #tpu.memory_space<vmem>>
        %dma_start3A_226 = arith.constant 0 : i32
        %dma_start3A_227 = arith.constant 0 : i32
        %dma_start3A_228 = tpu.memref_slice %arg9[%dma_start3A_226, %dma_start3A_227] : memref<200x64xf32, #tpu.memory_space<vmem_shared>> -> memref<200x64xf32, #tpu.memory_space<vmem_shared>>
        %dma_start3A_229 = tpu.memref_slice %arg12[%dma_start3A_218] : memref<3x!tpu.dma_semaphore, #tpu.memory_space<semaphore_mem>> -> memref<1x!tpu.dma_semaphore, #tpu.memory_space<semaphore_mem>>
        %dma_start3A_230 = tpu.memref_squeeze %dma_start3A_229 : memref<1x!tpu.dma_semaphore, #tpu.memory_space<semaphore_mem>> -> memref<!tpu.dma_semaphore, #tpu.memory_space<semaphore_mem>>
        tpu.enqueue_indirect_dma source(%dma_start3A_228 : memref<200x64xf32, #tpu.memory_space<vmem_shared>>) target(%dma_start3A_222 : memref<128x64xf32, #tpu.memory_space<vmem>>) offsets(%dma_start3A_225 : memref<128xi32, #tpu.memory_space<vmem>>) semaphore(%dma_start3A_230 : memref<!tpu.dma_semaphore, #tpu.memory_space<semaphore_mem>>) {add = true}
      } else {
      }
      %ge3A_66 = arith.constant 2 : i32
      %ge3A_67 = arith.cmpi sge, %add3A_46, %ge3A_66 : i32
      %sub3A_68 = arith.constant 2 : i32
      %sub3A_69 = arith.subi %add3A_46, %sub3A_68 : i32
      %lt3A_70 = arith.constant 50 : i32
      %lt3A_71 = arith.cmpi slt, %sub3A_69, %lt3A_70 : i32
      %and3A_72 = arith.andi %ge3A_67, %lt3A_71 : i1
      %convert_element_type3A_73 = arith.extui %and3A_72 : i1 to i32
      %cond3A_74 = arith.constant 0 : i32
      %cond3A_75 = arith.cmpi ne, %convert_element_type3A_73, %cond3A_74 : i32
      scf.if %cond3A_75 {
        %sub3A_150 = arith.constant 2 : i32
        %sub3A_151 = arith.subi %add3A_46, %sub3A_150 : i32
        %mul3A_152 = arith.constant 512 : i32
        %mul3A_153 = arith.muli %sub3A_151, %mul3A_152 : i32
        %add3A_154 = arith.addi %mul3A_2, %mul3A_153 : i32
        %dma_wait3A_155 = arith.constant 1 : i32
        %dma_wait3A_156 = arith.constant 1 : i32
        %dma_wait3A_157 = arith.constant 0 : i32
        %dma_wait3A_158 = arith.constant 0 : i32
        %dma_wait3A_159 = tpu.memref_slice %arg10[%dma_wait3A_155, %dma_wait3A_157, %dma_wait3A_158] : memref<3x512x64xf32, #tpu.memory_space<vmem>> -> memref<1x512x64xf32, #tpu.memory_space<vmem>>
        %dma_wait3A_160 = tpu.memref_squeeze %dma_wait3A_159 : memref<1x512x64xf32, #tpu.memory_space<vmem>> -> memref<512x64xf32, #tpu.memory_space<vmem>>
        %dma_wait3A_161 = arith.constant 0 : i32
        %dma_wait3A_162 = arith.constant 0 : i32
        %dma_wait3A_163 = tpu.memref_slice %arg4[%dma_wait3A_161, %dma_wait3A_162] : memref<1000000x64xf32, #tpu.memory_space<hbm>> -> memref<512x64xf32, #tpu.memory_space<hbm>>
        %dma_wait3A_164 = tpu.memref_slice %arg12[%dma_wait3A_156] : memref<3x!tpu.dma_semaphore, #tpu.memory_space<semaphore_mem>> -> memref<1x!tpu.dma_semaphore, #tpu.memory_space<semaphore_mem>>
        %dma_wait3A_165 = tpu.memref_squeeze %dma_wait3A_164 : memref<1x!tpu.dma_semaphore, #tpu.memory_space<semaphore_mem>> -> memref<!tpu.dma_semaphore, #tpu.memory_space<semaphore_mem>>
        %dma_wait3A_166 = arith.constant 0 : i32
        %dma_wait3A_167 = arith.constant 0 : i32
        %dma_wait3A_168 = tpu.memref_slice %arg10[%dma_wait3A_155, %dma_wait3A_166, %dma_wait3A_167] : memref<3x512x64xf32, #tpu.memory_space<vmem>> -> memref<1x512x64xf32, #tpu.memory_space<vmem>>
        %dma_wait3A_169 = tpu.memref_squeeze %dma_wait3A_168 : memref<1x512x64xf32, #tpu.memory_space<vmem>> -> memref<512x64xf32, #tpu.memory_space<vmem>>
        %dma_wait3A_170 = arith.constant 0 : i32
        %dma_wait3A_171 = arith.constant 0 : i32
        %dma_wait3A_172 = tpu.memref_slice %arg4[%dma_wait3A_170, %dma_wait3A_171] : memref<1000000x64xf32, #tpu.memory_space<hbm>> -> memref<512x64xf32, #tpu.memory_space<hbm>>
        tpu.wait_dma2 semaphore(%dma_wait3A_165 : memref<!tpu.dma_semaphore, #tpu.memory_space<semaphore_mem>>) src(%dma_wait3A_172 : memref<512x64xf32, #tpu.memory_space<hbm>>) dst(%dma_wait3A_169 : memref<512x64xf32, #tpu.memory_space<vmem>>)
        %dma_start3A = arith.constant 1 : i32
        %dma_start3A_173 = arith.constant 1 : i32
        %dma_start3A_174 = arith.constant 0 : i32
        %dma_start3A_175 = arith.constant 0 : i32
        %dma_start3A_176 = tpu.memref_slice %arg10[%dma_start3A, %dma_start3A_174, %dma_start3A_175] : memref<3x512x64xf32, #tpu.memory_space<vmem>> -> memref<1x512x64xf32, #tpu.memory_space<vmem>>
        %dma_start3A_177 = tpu.memref_squeeze %dma_start3A_176 : memref<1x512x64xf32, #tpu.memory_space<vmem>> -> memref<512x64xf32, #tpu.memory_space<vmem>>
        %dma_start3A_178 = arith.constant 0 : i32
        %dma_start3A_179 = tpu.memref_slice %arg6[%add3A_154, %dma_start3A_178] : memref<819200x64xf32, #tpu.memory_space<hbm>> -> memref<512x64xf32, #tpu.memory_space<hbm>>
        %dma_start3A_180 = tpu.memref_slice %arg13[%dma_start3A_173] : memref<3x!tpu.dma_semaphore, #tpu.memory_space<semaphore_mem>> -> memref<1x!tpu.dma_semaphore, #tpu.memory_space<semaphore_mem>>
        %dma_start3A_181 = tpu.memref_squeeze %dma_start3A_180 : memref<1x!tpu.dma_semaphore, #tpu.memory_space<semaphore_mem>> -> memref<!tpu.dma_semaphore, #tpu.memory_space<semaphore_mem>>
        %dma_start3A_182 = arith.constant 0 : i32
        %dma_start3A_183 = tpu.memref_slice %arg6[%add3A_154, %dma_start3A_182] : memref<819200x64xf32, #tpu.memory_space<hbm>> -> memref<512x64xf32, #tpu.memory_space<hbm>>
        %dma_start3A_184 = arith.constant 0 : i32
        %dma_start3A_185 = arith.constant 0 : i32
        %dma_start3A_186 = tpu.memref_slice %arg10[%dma_start3A, %dma_start3A_184, %dma_start3A_185] : memref<3x512x64xf32, #tpu.memory_space<vmem>> -> memref<1x512x64xf32, #tpu.memory_space<vmem>>
        %dma_start3A_187 = tpu.memref_squeeze %dma_start3A_186 : memref<1x512x64xf32, #tpu.memory_space<vmem>> -> memref<512x64xf32, #tpu.memory_space<vmem>>
        tpu.enqueue_dma source(%dma_start3A_187 : memref<512x64xf32, #tpu.memory_space<vmem>>) target(%dma_start3A_183 : memref<512x64xf32, #tpu.memory_space<hbm>>) target_semaphore(%dma_start3A_181 : memref<!tpu.dma_semaphore, #tpu.memory_space<semaphore_mem>>)
      } else {
      }
      %mul3A_76 = arith.constant 3 : i32
      %mul3A_77 = arith.muli %add3A_42, %mul3A_76 : i32
      %add3A_78 = arith.constant 1 : i32
      %add3A_79 = arith.addi %mul3A_77, %add3A_78 : i32
      %ge3A_80 = arith.constant 3 : i32
      %ge3A_81 = arith.cmpi sge, %add3A_79, %ge3A_80 : i32
      %lt3A_82 = arith.constant 50 : i32
      %lt3A_83 = arith.cmpi slt, %add3A_79, %lt3A_82 : i32
      %and3A_84 = arith.andi %ge3A_81, %lt3A_83 : i1
      %convert_element_type3A_85 = arith.extui %and3A_84 : i1 to i32
      %cond3A_86 = arith.constant 0 : i32
      %cond3A_87 = arith.cmpi ne, %convert_element_type3A_85, %cond3A_86 : i32
      scf.if %cond3A_87 {
        %sub3A_150 = arith.constant 3 : i32
        %sub3A_151 = arith.subi %add3A_79, %sub3A_150 : i32
        %mul3A_152 = arith.constant 512 : i32
        %mul3A_153 = arith.muli %sub3A_151, %mul3A_152 : i32
        %add3A_154 = arith.addi %mul3A_2, %mul3A_153 : i32
        %dma_wait3A_155 = arith.constant 1 : i32
        %dma_wait3A_156 = tpu.memref_slice %arg13[%dma_wait3A_155] : memref<3x!tpu.dma_semaphore, #tpu.memory_space<semaphore_mem>> -> memref<1x!tpu.dma_semaphore, #tpu.memory_space<semaphore_mem>>
        %dma_wait3A_157 = tpu.memref_squeeze %dma_wait3A_156 : memref<1x!tpu.dma_semaphore, #tpu.memory_space<semaphore_mem>> -> memref<!tpu.dma_semaphore, #tpu.memory_space<semaphore_mem>>
        %dma_wait3A_158 = arith.constant 0 : i32
        %dma_wait3A_159 = tpu.memref_slice %arg6[%add3A_154, %dma_wait3A_158] : memref<819200x64xf32, #tpu.memory_space<hbm>> -> memref<512x64xf32, #tpu.memory_space<hbm>>
        %dma_wait3A_160 = arith.constant 0 : i32
        %dma_wait3A_161 = arith.constant 0 : i32
        %dma_wait3A_162 = tpu.memref_slice %arg4[%dma_wait3A_160, %dma_wait3A_161] : memref<1000000x64xf32, #tpu.memory_space<hbm>> -> memref<512x64xf32, #tpu.memory_space<hbm>>
        tpu.wait_dma2 semaphore(%dma_wait3A_157 : memref<!tpu.dma_semaphore, #tpu.memory_space<semaphore_mem>>) src(%dma_wait3A_162 : memref<512x64xf32, #tpu.memory_space<hbm>>) dst(%dma_wait3A_159 : memref<512x64xf32, #tpu.memory_space<hbm>>)
      } else {
      }
      %lt3A_88 = arith.constant 50 : i32
      %lt3A_89 = arith.cmpi slt, %add3A_79, %lt3A_88 : i32
      %convert_element_type3A_90 = arith.extui %lt3A_89 : i1 to i32
      %cond3A_91 = arith.constant 0 : i32
      %cond3A_92 = arith.cmpi ne, %convert_element_type3A_90, %cond3A_91 : i32
      scf.if %cond3A_92 {
        %mul3A_150 = arith.constant 512 : i32
        %mul3A_151 = arith.muli %add3A_79, %mul3A_150 : i32
        %add3A_152 = arith.addi %mul3A_2, %mul3A_151 : i32
        %jit3A = arith.constant 128 : i32
        %div3A = arith.divsi %add3A_152, %jit3A : i32
        %sign3A = arith.constant 0 : i32
        %sign3A_153 = arith.cmpi sgt, %add3A_152, %sign3A : i32
        %sign3A_154 = arith.extui %sign3A_153 : i1 to i32
        %sign3A_155 = arith.constant 0 : i32
        %sign3A_156 = arith.cmpi slt, %add3A_152, %sign3A_155 : i32
        %sign3A_157 = arith.extui %sign3A_156 : i1 to i32
        %sign3A_158 = arith.subi %sign3A_154, %sign3A_157 : i32
        %sign3A_159 = arith.constant 0 : i32
        %sign3A_160 = arith.cmpi sgt, %jit3A, %sign3A_159 : i32
        %sign3A_161 = arith.extui %sign3A_160 : i1 to i32
        %sign3A_162 = arith.constant 0 : i32
        %sign3A_163 = arith.cmpi slt, %jit3A, %sign3A_162 : i32
        %sign3A_164 = arith.extui %sign3A_163 : i1 to i32
        %sign3A_165 = arith.subi %sign3A_161, %sign3A_164 : i32
        %ne3A = arith.cmpi ne, %sign3A_158, %sign3A_165 : i32
        %rem3A = arith.remsi %add3A_152, %jit3A : i32
        %ne3A_166 = arith.constant 0 : i32
        %ne3A_167 = arith.cmpi ne, %rem3A, %ne3A_166 : i32
        %and3A_168 = arith.andi %ne3A, %ne3A_167 : i1
        %sub3A_169 = arith.constant 1 : i32
        %sub3A_170 = arith.subi %div3A, %sub3A_169 : i32
        %select_n3A = arith.select %and3A_168, %sub3A_170, %div3A : i32
        %run_scoped3A = arith.constant 1 : i32
        "tpu.region"() ({
          %run_scoped3A_235 = tpu.sem_alloc : memref<!tpu.dma_semaphore, #tpu.memory_space<semaphore_mem>>
          %dma_start3A_236 = arith.constant 0 : i32
          %dma_start3A_237 = arith.constant 0 : i32
          %dma_start3A_238 = tpu.memref_slice %arg7[%run_scoped3A, %dma_start3A_236, %dma_start3A_237] : memref<3x4x128xi32, #tpu.memory_space<vmem>> -> memref<1x4x128xi32, #tpu.memory_space<vmem>>
          %dma_start3A_239 = tpu.memref_squeeze %dma_start3A_238 : memref<1x4x128xi32, #tpu.memory_space<vmem>> -> memref<4x128xi32, #tpu.memory_space<vmem>>
          %dma_start3A_240 = arith.constant 0 : i32
          %dma_start3A_241 = tpu.memref_slice %arg2[%select_n3A, %dma_start3A_240] : memref<6400x128xi32, #tpu.memory_space<hbm>> -> memref<4x128xi32, #tpu.memory_space<hbm>>
          %dma_start3A_242 = arith.constant 0 : i32
          %dma_start3A_243 = arith.constant 0 : i32
          %dma_start3A_244 = tpu.memref_slice %arg7[%run_scoped3A, %dma_start3A_242, %dma_start3A_243] : memref<3x4x128xi32, #tpu.memory_space<vmem>> -> memref<1x4x128xi32, #tpu.memory_space<vmem>>
          %dma_start3A_245 = tpu.memref_squeeze %dma_start3A_244 : memref<1x4x128xi32, #tpu.memory_space<vmem>> -> memref<4x128xi32, #tpu.memory_space<vmem>>
          %dma_start3A_246 = arith.constant 0 : i32
          %dma_start3A_247 = tpu.memref_slice %arg2[%select_n3A, %dma_start3A_246] : memref<6400x128xi32, #tpu.memory_space<hbm>> -> memref<4x128xi32, #tpu.memory_space<hbm>>
          tpu.enqueue_dma source(%dma_start3A_247 : memref<4x128xi32, #tpu.memory_space<hbm>>) target(%dma_start3A_245 : memref<4x128xi32, #tpu.memory_space<vmem>>) target_semaphore(%run_scoped3A_235 : memref<!tpu.dma_semaphore, #tpu.memory_space<semaphore_mem>>)
          %dma_wait3A_248 = arith.constant 0 : i32
          %dma_wait3A_249 = arith.constant 0 : i32
          %dma_wait3A_250 = tpu.memref_slice %arg7[%run_scoped3A, %dma_wait3A_248, %dma_wait3A_249] : memref<3x4x128xi32, #tpu.memory_space<vmem>> -> memref<1x4x128xi32, #tpu.memory_space<vmem>>
          %dma_wait3A_251 = tpu.memref_squeeze %dma_wait3A_250 : memref<1x4x128xi32, #tpu.memory_space<vmem>> -> memref<4x128xi32, #tpu.memory_space<vmem>>
          %dma_wait3A_252 = arith.constant 0 : i32
          %dma_wait3A_253 = tpu.memref_slice %arg2[%select_n3A, %dma_wait3A_252] : memref<6400x128xi32, #tpu.memory_space<hbm>> -> memref<4x128xi32, #tpu.memory_space<hbm>>
          %dma_wait3A_254 = arith.constant 0 : i32
          %dma_wait3A_255 = arith.constant 0 : i32
          %dma_wait3A_256 = tpu.memref_slice %arg7[%run_scoped3A, %dma_wait3A_254, %dma_wait3A_255] : memref<3x4x128xi32, #tpu.memory_space<vmem>> -> memref<1x4x128xi32, #tpu.memory_space<vmem>>
          %dma_wait3A_257 = tpu.memref_squeeze %dma_wait3A_256 : memref<1x4x128xi32, #tpu.memory_space<vmem>> -> memref<4x128xi32, #tpu.memory_space<vmem>>
          %dma_wait3A_258 = arith.constant 0 : i32
          %dma_wait3A_259 = tpu.memref_slice %arg2[%select_n3A, %dma_wait3A_258] : memref<6400x128xi32, #tpu.memory_space<hbm>> -> memref<4x128xi32, #tpu.memory_space<hbm>>
          tpu.wait_dma2 semaphore(%run_scoped3A_235 : memref<!tpu.dma_semaphore, #tpu.memory_space<semaphore_mem>>) src(%dma_wait3A_259 : memref<4x128xi32, #tpu.memory_space<hbm>>) dst(%dma_wait3A_257 : memref<4x128xi32, #tpu.memory_space<vmem>>)
          tpu.yield
        }) : () -> ()
        %run_scoped3A_171 = arith.constant 1 : i32
        "tpu.region"() ({
          %run_scoped3A_235 = tpu.sem_alloc : memref<!tpu.dma_semaphore, #tpu.memory_space<semaphore_mem>>
          %dma_start3A_236 = arith.constant 0 : i32
          %dma_start3A_237 = arith.constant 0 : i32
          %dma_start3A_238 = tpu.memref_slice %arg8[%run_scoped3A_171, %dma_start3A_236, %dma_start3A_237] : memref<3x4x128xi32, #tpu.memory_space<vmem>> -> memref<1x4x128xi32, #tpu.memory_space<vmem>>
          %dma_start3A_239 = tpu.memref_squeeze %dma_start3A_238 : memref<1x4x128xi32, #tpu.memory_space<vmem>> -> memref<4x128xi32, #tpu.memory_space<vmem>>
          %dma_start3A_240 = arith.constant 0 : i32
          %dma_start3A_241 = tpu.memref_slice %arg3[%select_n3A, %dma_start3A_240] : memref<6400x128xi32, #tpu.memory_space<hbm>> -> memref<4x128xi32, #tpu.memory_space<hbm>>
          %dma_start3A_242 = arith.constant 0 : i32
          %dma_start3A_243 = arith.constant 0 : i32
          %dma_start3A_244 = tpu.memref_slice %arg8[%run_scoped3A_171, %dma_start3A_242, %dma_start3A_243] : memref<3x4x128xi32, #tpu.memory_space<vmem>> -> memref<1x4x128xi32, #tpu.memory_space<vmem>>
          %dma_start3A_245 = tpu.memref_squeeze %dma_start3A_244 : memref<1x4x128xi32, #tpu.memory_space<vmem>> -> memref<4x128xi32, #tpu.memory_space<vmem>>
          %dma_start3A_246 = arith.constant 0 : i32
          %dma_start3A_247 = tpu.memref_slice %arg3[%select_n3A, %dma_start3A_246] : memref<6400x128xi32, #tpu.memory_space<hbm>> -> memref<4x128xi32, #tpu.memory_space<hbm>>
          tpu.enqueue_dma source(%dma_start3A_247 : memref<4x128xi32, #tpu.memory_space<hbm>>) target(%dma_start3A_245 : memref<4x128xi32, #tpu.memory_space<vmem>>) target_semaphore(%run_scoped3A_235 : memref<!tpu.dma_semaphore, #tpu.memory_space<semaphore_mem>>)
          %dma_wait3A_248 = arith.constant 0 : i32
          %dma_wait3A_249 = arith.constant 0 : i32
          %dma_wait3A_250 = tpu.memref_slice %arg8[%run_scoped3A_171, %dma_wait3A_248, %dma_wait3A_249] : memref<3x4x128xi32, #tpu.memory_space<vmem>> -> memref<1x4x128xi32, #tpu.memory_space<vmem>>
          %dma_wait3A_251 = tpu.memref_squeeze %dma_wait3A_250 : memref<1x4x128xi32, #tpu.memory_space<vmem>> -> memref<4x128xi32, #tpu.memory_space<vmem>>
          %dma_wait3A_252 = arith.constant 0 : i32
          %dma_wait3A_253 = tpu.memref_slice %arg3[%select_n3A, %dma_wait3A_252] : memref<6400x128xi32, #tpu.memory_space<hbm>> -> memref<4x128xi32, #tpu.memory_space<hbm>>
          %dma_wait3A_254 = arith.constant 0 : i32
          %dma_wait3A_255 = arith.constant 0 : i32
          %dma_wait3A_256 = tpu.memref_slice %arg8[%run_scoped3A_171, %dma_wait3A_254, %dma_wait3A_255] : memref<3x4x128xi32, #tpu.memory_space<vmem>> -> memref<1x4x128xi32, #tpu.memory_space<vmem>>
          %dma_wait3A_257 = tpu.memref_squeeze %dma_wait3A_256 : memref<1x4x128xi32, #tpu.memory_space<vmem>> -> memref<4x128xi32, #tpu.memory_space<vmem>>
          %dma_wait3A_258 = arith.constant 0 : i32
          %dma_wait3A_259 = tpu.memref_slice %arg3[%select_n3A, %dma_wait3A_258] : memref<6400x128xi32, #tpu.memory_space<hbm>> -> memref<4x128xi32, #tpu.memory_space<hbm>>
          tpu.wait_dma2 semaphore(%run_scoped3A_235 : memref<!tpu.dma_semaphore, #tpu.memory_space<semaphore_mem>>) src(%dma_wait3A_259 : memref<4x128xi32, #tpu.memory_space<hbm>>) dst(%dma_wait3A_257 : memref<4x128xi32, #tpu.memory_space<vmem>>)
          tpu.yield
        }) : () -> ()
        %dma_start3A = arith.constant 1 : i32
        %dma_start3A_172 = arith.constant 0 : i32
        %dma_start3A_173 = arith.constant 1 : i32
        %dma_start3A_174 = arith.constant 1 : i32
        %dma_start3A_175 = arith.constant 0 : i32
        %dma_start3A_176 = arith.constant 0 : i32
        %dma_start3A_177 = tpu.memref_slice %arg10[%dma_start3A_173, %dma_start3A_175, %dma_start3A_176] : memref<3x512x64xf32, #tpu.memory_space<vmem>> -> memref<1x128x64xf32, #tpu.memory_space<vmem>>
        %dma_start3A_178 = tpu.memref_squeeze %dma_start3A_177 : memref<1x128x64xf32, #tpu.memory_space<vmem>> -> memref<128x64xf32, #tpu.memory_space<vmem>>
        %dma_start3A_179 = arith.constant 0 : i32
        %dma_start3A_180 = tpu.memref_slice %arg7[%dma_start3A, %dma_start3A_172, %dma_start3A_179] : memref<3x4x128xi32, #tpu.memory_space<vmem>> -> memref<1x1x128xi32, #tpu.memory_space<vmem>>
        %dma_start3A_181 = tpu.memref_squeeze %dma_start3A_180 : memref<1x1x128xi32, #tpu.memory_space<vmem>> -> memref<128xi32, #tpu.memory_space<vmem>>
        %dma_start3A_182 = arith.constant 0 : i32
        %dma_start3A_183 = arith.constant 0 : i32
        %dma_start3A_184 = tpu.memref_slice %arg4[%dma_start3A_182, %dma_start3A_183] : memref<1000000x64xf32, #tpu.memory_space<hbm>> -> memref<1000000x64xf32, #tpu.memory_space<hbm>>
        %dma_start3A_185 = tpu.memref_slice %arg11[%dma_start3A_174] : memref<3x!tpu.dma_semaphore, #tpu.memory_space<semaphore_mem>> -> memref<1x!tpu.dma_semaphore, #tpu.memory_space<semaphore_mem>>
        %dma_start3A_186 = tpu.memref_squeeze %dma_start3A_185 : memref<1x!tpu.dma_semaphore, #tpu.memory_space<semaphore_mem>> -> memref<!tpu.dma_semaphore, #tpu.memory_space<semaphore_mem>>
        tpu.enqueue_indirect_dma source(%dma_start3A_184 : memref<1000000x64xf32, #tpu.memory_space<hbm>>) target(%dma_start3A_178 : memref<128x64xf32, #tpu.memory_space<vmem>>) offsets(%dma_start3A_181 : memref<128xi32, #tpu.memory_space<vmem>>) semaphore(%dma_start3A_186 : memref<!tpu.dma_semaphore, #tpu.memory_space<semaphore_mem>>)
        %dma_start3A_187 = arith.constant 1 : i32
        %dma_start3A_188 = arith.constant 1 : i32
        %dma_start3A_189 = arith.constant 1 : i32
        %dma_start3A_190 = arith.constant 1 : i32
        %dma_start3A_191 = arith.constant 128 : i32
        %dma_start3A_192 = arith.constant 0 : i32
        %dma_start3A_193 = tpu.memref_slice %arg10[%dma_start3A_189, %dma_start3A_191, %dma_start3A_192] : memref<3x512x64xf32, #tpu.memory_space<vmem>> -> memref<1x128x64xf32, #tpu.memory_space<vmem>>
        %dma_start3A_194 = tpu.memref_squeeze %dma_start3A_193 : memref<1x128x64xf32, #tpu.memory_space<vmem>> -> memref<128x64xf32, #tpu.memory_space<vmem>>
        %dma_start3A_195 = arith.constant 0 : i32
        %dma_start3A_196 = tpu.memref_slice %arg7[%dma_start3A_187, %dma_start3A_188, %dma_start3A_195] : memref<3x4x128xi32, #tpu.memory_space<vmem>> -> memref<1x1x128xi32, #tpu.memory_space<vmem>>
        %dma_start3A_197 = tpu.memref_squeeze %dma_start3A_196 : memref<1x1x128xi32, #tpu.memory_space<vmem>> -> memref<128xi32, #tpu.memory_space<vmem>>
        %dma_start3A_198 = arith.constant 0 : i32
        %dma_start3A_199 = arith.constant 0 : i32
        %dma_start3A_200 = tpu.memref_slice %arg4[%dma_start3A_198, %dma_start3A_199] : memref<1000000x64xf32, #tpu.memory_space<hbm>> -> memref<1000000x64xf32, #tpu.memory_space<hbm>>
        %dma_start3A_201 = tpu.memref_slice %arg11[%dma_start3A_190] : memref<3x!tpu.dma_semaphore, #tpu.memory_space<semaphore_mem>> -> memref<1x!tpu.dma_semaphore, #tpu.memory_space<semaphore_mem>>
        %dma_start3A_202 = tpu.memref_squeeze %dma_start3A_201 : memref<1x!tpu.dma_semaphore, #tpu.memory_space<semaphore_mem>> -> memref<!tpu.dma_semaphore, #tpu.memory_space<semaphore_mem>>
        tpu.enqueue_indirect_dma source(%dma_start3A_200 : memref<1000000x64xf32, #tpu.memory_space<hbm>>) target(%dma_start3A_194 : memref<128x64xf32, #tpu.memory_space<vmem>>) offsets(%dma_start3A_197 : memref<128xi32, #tpu.memory_space<vmem>>) semaphore(%dma_start3A_202 : memref<!tpu.dma_semaphore, #tpu.memory_space<semaphore_mem>>)
        %dma_start3A_203 = arith.constant 1 : i32
        %dma_start3A_204 = arith.constant 2 : i32
        %dma_start3A_205 = arith.constant 1 : i32
        %dma_start3A_206 = arith.constant 1 : i32
        %dma_start3A_207 = arith.constant 256 : i32
        %dma_start3A_208 = arith.constant 0 : i32
        %dma_start3A_209 = tpu.memref_slice %arg10[%dma_start3A_205, %dma_start3A_207, %dma_start3A_208] : memref<3x512x64xf32, #tpu.memory_space<vmem>> -> memref<1x128x64xf32, #tpu.memory_space<vmem>>
        %dma_start3A_210 = tpu.memref_squeeze %dma_start3A_209 : memref<1x128x64xf32, #tpu.memory_space<vmem>> -> memref<128x64xf32, #tpu.memory_space<vmem>>
        %dma_start3A_211 = arith.constant 0 : i32
        %dma_start3A_212 = tpu.memref_slice %arg7[%dma_start3A_203, %dma_start3A_204, %dma_start3A_211] : memref<3x4x128xi32, #tpu.memory_space<vmem>> -> memref<1x1x128xi32, #tpu.memory_space<vmem>>
        %dma_start3A_213 = tpu.memref_squeeze %dma_start3A_212 : memref<1x1x128xi32, #tpu.memory_space<vmem>> -> memref<128xi32, #tpu.memory_space<vmem>>
        %dma_start3A_214 = arith.constant 0 : i32
        %dma_start3A_215 = arith.constant 0 : i32
        %dma_start3A_216 = tpu.memref_slice %arg4[%dma_start3A_214, %dma_start3A_215] : memref<1000000x64xf32, #tpu.memory_space<hbm>> -> memref<1000000x64xf32, #tpu.memory_space<hbm>>
        %dma_start3A_217 = tpu.memref_slice %arg11[%dma_start3A_206] : memref<3x!tpu.dma_semaphore, #tpu.memory_space<semaphore_mem>> -> memref<1x!tpu.dma_semaphore, #tpu.memory_space<semaphore_mem>>
        %dma_start3A_218 = tpu.memref_squeeze %dma_start3A_217 : memref<1x!tpu.dma_semaphore, #tpu.memory_space<semaphore_mem>> -> memref<!tpu.dma_semaphore, #tpu.memory_space<semaphore_mem>>
        tpu.enqueue_indirect_dma source(%dma_start3A_216 : memref<1000000x64xf32, #tpu.memory_space<hbm>>) target(%dma_start3A_210 : memref<128x64xf32, #tpu.memory_space<vmem>>) offsets(%dma_start3A_213 : memref<128xi32, #tpu.memory_space<vmem>>) semaphore(%dma_start3A_218 : memref<!tpu.dma_semaphore, #tpu.memory_space<semaphore_mem>>)
        %dma_start3A_219 = arith.constant 1 : i32
        %dma_start3A_220 = arith.constant 3 : i32
        %dma_start3A_221 = arith.constant 1 : i32
        %dma_start3A_222 = arith.constant 1 : i32
        %dma_start3A_223 = arith.constant 384 : i32
        %dma_start3A_224 = arith.constant 0 : i32
        %dma_start3A_225 = tpu.memref_slice %arg10[%dma_start3A_221, %dma_start3A_223, %dma_start3A_224] : memref<3x512x64xf32, #tpu.memory_space<vmem>> -> memref<1x128x64xf32, #tpu.memory_space<vmem>>
        %dma_start3A_226 = tpu.memref_squeeze %dma_start3A_225 : memref<1x128x64xf32, #tpu.memory_space<vmem>> -> memref<128x64xf32, #tpu.memory_space<vmem>>
        %dma_start3A_227 = arith.constant 0 : i32
        %dma_start3A_228 = tpu.memref_slice %arg7[%dma_start3A_219, %dma_start3A_220, %dma_start3A_227] : memref<3x4x128xi32, #tpu.memory_space<vmem>> -> memref<1x1x128xi32, #tpu.memory_space<vmem>>
        %dma_start3A_229 = tpu.memref_squeeze %dma_start3A_228 : memref<1x1x128xi32, #tpu.memory_space<vmem>> -> memref<128xi32, #tpu.memory_space<vmem>>
        %dma_start3A_230 = arith.constant 0 : i32
        %dma_start3A_231 = arith.constant 0 : i32
        %dma_start3A_232 = tpu.memref_slice %arg4[%dma_start3A_230, %dma_start3A_231] : memref<1000000x64xf32, #tpu.memory_space<hbm>> -> memref<1000000x64xf32, #tpu.memory_space<hbm>>
        %dma_start3A_233 = tpu.memref_slice %arg11[%dma_start3A_222] : memref<3x!tpu.dma_semaphore, #tpu.memory_space<semaphore_mem>> -> memref<1x!tpu.dma_semaphore, #tpu.memory_space<semaphore_mem>>
        %dma_start3A_234 = tpu.memref_squeeze %dma_start3A_233 : memref<1x!tpu.dma_semaphore, #tpu.memory_space<semaphore_mem>> -> memref<!tpu.dma_semaphore, #tpu.memory_space<semaphore_mem>>
        tpu.enqueue_indirect_dma source(%dma_start3A_232 : memref<1000000x64xf32, #tpu.memory_space<hbm>>) target(%dma_start3A_226 : memref<128x64xf32, #tpu.memory_space<vmem>>) offsets(%dma_start3A_229 : memref<128xi32, #tpu.memory_space<vmem>>) semaphore(%dma_start3A_234 : memref<!tpu.dma_semaphore, #tpu.memory_space<semaphore_mem>>)
      } else {
      }
      %ge3A_93 = arith.constant 1 : i32
      %ge3A_94 = arith.cmpi sge, %add3A_79, %ge3A_93 : i32
      %sub3A_95 = arith.constant 1 : i32
      %sub3A_96 = arith.subi %add3A_79, %sub3A_95 : i32
      %lt3A_97 = arith.constant 50 : i32
      %lt3A_98 = arith.cmpi slt, %sub3A_96, %lt3A_97 : i32
      %and3A_99 = arith.andi %ge3A_94, %lt3A_98 : i1
      %convert_element_type3A_100 = arith.extui %and3A_99 : i1 to i32
      %cond3A_101 = arith.constant 0 : i32
      %cond3A_102 = arith.cmpi ne, %convert_element_type3A_100, %cond3A_101 : i32
      scf.if %cond3A_102 {
        %dma_wait3A_150 = arith.constant 0 : i32
        %dma_wait3A_151 = arith.constant 0 : i32
        %dma_wait3A_152 = arith.constant 0 : i32
        %dma_wait3A_153 = arith.constant 0 : i32
        %dma_wait3A_154 = tpu.memref_slice %arg10[%dma_wait3A_150, %dma_wait3A_152, %dma_wait3A_153] : memref<3x512x64xf32, #tpu.memory_space<vmem>> -> memref<1x512x64xf32, #tpu.memory_space<vmem>>
        %dma_wait3A_155 = tpu.memref_squeeze %dma_wait3A_154 : memref<1x512x64xf32, #tpu.memory_space<vmem>> -> memref<512x64xf32, #tpu.memory_space<vmem>>
        %dma_wait3A_156 = arith.constant 0 : i32
        %dma_wait3A_157 = arith.constant 0 : i32
        %dma_wait3A_158 = tpu.memref_slice %arg4[%dma_wait3A_156, %dma_wait3A_157] : memref<1000000x64xf32, #tpu.memory_space<hbm>> -> memref<512x64xf32, #tpu.memory_space<hbm>>
        %dma_wait3A_159 = tpu.memref_slice %arg11[%dma_wait3A_151] : memref<3x!tpu.dma_semaphore, #tpu.memory_space<semaphore_mem>> -> memref<1x!tpu.dma_semaphore, #tpu.memory_space<semaphore_mem>>
        %dma_wait3A_160 = tpu.memref_squeeze %dma_wait3A_159 : memref<1x!tpu.dma_semaphore, #tpu.memory_space<semaphore_mem>> -> memref<!tpu.dma_semaphore, #tpu.memory_space<semaphore_mem>>
        %dma_wait3A_161 = arith.constant 0 : i32
        %dma_wait3A_162 = arith.constant 0 : i32
        %dma_wait3A_163 = tpu.memref_slice %arg10[%dma_wait3A_150, %dma_wait3A_161, %dma_wait3A_162] : memref<3x512x64xf32, #tpu.memory_space<vmem>> -> memref<1x512x64xf32, #tpu.memory_space<vmem>>
        %dma_wait3A_164 = tpu.memref_squeeze %dma_wait3A_163 : memref<1x512x64xf32, #tpu.memory_space<vmem>> -> memref<512x64xf32, #tpu.memory_space<vmem>>
        %dma_wait3A_165 = arith.constant 0 : i32
        %dma_wait3A_166 = arith.constant 0 : i32
        %dma_wait3A_167 = tpu.memref_slice %arg4[%dma_wait3A_165, %dma_wait3A_166] : memref<1000000x64xf32, #tpu.memory_space<hbm>> -> memref<512x64xf32, #tpu.memory_space<hbm>>
        tpu.wait_dma2 semaphore(%dma_wait3A_160 : memref<!tpu.dma_semaphore, #tpu.memory_space<semaphore_mem>>) src(%dma_wait3A_167 : memref<512x64xf32, #tpu.memory_space<hbm>>) dst(%dma_wait3A_164 : memref<512x64xf32, #tpu.memory_space<vmem>>)
        %dma_start3A = arith.constant 0 : i32
        %dma_start3A_168 = arith.constant 0 : i32
        %dma_start3A_169 = arith.constant 0 : i32
        %dma_start3A_170 = arith.constant 0 : i32
        %dma_start3A_171 = arith.constant 0 : i32
        %dma_start3A_172 = arith.constant 0 : i32
        %dma_start3A_173 = tpu.memref_slice %arg10[%dma_start3A_169, %dma_start3A_171, %dma_start3A_172] : memref<3x512x64xf32, #tpu.memory_space<vmem>> -> memref<1x128x64xf32, #tpu.memory_space<vmem>>
        %dma_start3A_174 = tpu.memref_squeeze %dma_start3A_173 : memref<1x128x64xf32, #tpu.memory_space<vmem>> -> memref<128x64xf32, #tpu.memory_space<vmem>>
        %dma_start3A_175 = arith.constant 0 : i32
        %dma_start3A_176 = tpu.memref_slice %arg8[%dma_start3A, %dma_start3A_168, %dma_start3A_175] : memref<3x4x128xi32, #tpu.memory_space<vmem>> -> memref<1x1x128xi32, #tpu.memory_space<vmem>>
        %dma_start3A_177 = tpu.memref_squeeze %dma_start3A_176 : memref<1x1x128xi32, #tpu.memory_space<vmem>> -> memref<128xi32, #tpu.memory_space<vmem>>
        %dma_start3A_178 = arith.constant 0 : i32
        %dma_start3A_179 = arith.constant 0 : i32
        %dma_start3A_180 = tpu.memref_slice %arg9[%dma_start3A_178, %dma_start3A_179] : memref<200x64xf32, #tpu.memory_space<vmem_shared>> -> memref<200x64xf32, #tpu.memory_space<vmem_shared>>
        %dma_start3A_181 = tpu.memref_slice %arg12[%dma_start3A_170] : memref<3x!tpu.dma_semaphore, #tpu.memory_space<semaphore_mem>> -> memref<1x!tpu.dma_semaphore, #tpu.memory_space<semaphore_mem>>
        %dma_start3A_182 = tpu.memref_squeeze %dma_start3A_181 : memref<1x!tpu.dma_semaphore, #tpu.memory_space<semaphore_mem>> -> memref<!tpu.dma_semaphore, #tpu.memory_space<semaphore_mem>>
        tpu.enqueue_indirect_dma source(%dma_start3A_180 : memref<200x64xf32, #tpu.memory_space<vmem_shared>>) target(%dma_start3A_174 : memref<128x64xf32, #tpu.memory_space<vmem>>) offsets(%dma_start3A_177 : memref<128xi32, #tpu.memory_space<vmem>>) semaphore(%dma_start3A_182 : memref<!tpu.dma_semaphore, #tpu.memory_space<semaphore_mem>>) {add = true}
        %dma_start3A_183 = arith.constant 0 : i32
        %dma_start3A_184 = arith.constant 1 : i32
        %dma_start3A_185 = arith.constant 0 : i32
        %dma_start3A_186 = arith.constant 0 : i32
        %dma_start3A_187 = arith.constant 128 : i32
        %dma_start3A_188 = arith.constant 0 : i32
        %dma_start3A_189 = tpu.memref_slice %arg10[%dma_start3A_185, %dma_start3A_187, %dma_start3A_188] : memref<3x512x64xf32, #tpu.memory_space<vmem>> -> memref<1x128x64xf32, #tpu.memory_space<vmem>>
        %dma_start3A_190 = tpu.memref_squeeze %dma_start3A_189 : memref<1x128x64xf32, #tpu.memory_space<vmem>> -> memref<128x64xf32, #tpu.memory_space<vmem>>
        %dma_start3A_191 = arith.constant 0 : i32
        %dma_start3A_192 = tpu.memref_slice %arg8[%dma_start3A_183, %dma_start3A_184, %dma_start3A_191] : memref<3x4x128xi32, #tpu.memory_space<vmem>> -> memref<1x1x128xi32, #tpu.memory_space<vmem>>
        %dma_start3A_193 = tpu.memref_squeeze %dma_start3A_192 : memref<1x1x128xi32, #tpu.memory_space<vmem>> -> memref<128xi32, #tpu.memory_space<vmem>>
        %dma_start3A_194 = arith.constant 0 : i32
        %dma_start3A_195 = arith.constant 0 : i32
        %dma_start3A_196 = tpu.memref_slice %arg9[%dma_start3A_194, %dma_start3A_195] : memref<200x64xf32, #tpu.memory_space<vmem_shared>> -> memref<200x64xf32, #tpu.memory_space<vmem_shared>>
        %dma_start3A_197 = tpu.memref_slice %arg12[%dma_start3A_186] : memref<3x!tpu.dma_semaphore, #tpu.memory_space<semaphore_mem>> -> memref<1x!tpu.dma_semaphore, #tpu.memory_space<semaphore_mem>>
        %dma_start3A_198 = tpu.memref_squeeze %dma_start3A_197 : memref<1x!tpu.dma_semaphore, #tpu.memory_space<semaphore_mem>> -> memref<!tpu.dma_semaphore, #tpu.memory_space<semaphore_mem>>
        tpu.enqueue_indirect_dma source(%dma_start3A_196 : memref<200x64xf32, #tpu.memory_space<vmem_shared>>) target(%dma_start3A_190 : memref<128x64xf32, #tpu.memory_space<vmem>>) offsets(%dma_start3A_193 : memref<128xi32, #tpu.memory_space<vmem>>) semaphore(%dma_start3A_198 : memref<!tpu.dma_semaphore, #tpu.memory_space<semaphore_mem>>) {add = true}
        %dma_start3A_199 = arith.constant 0 : i32
        %dma_start3A_200 = arith.constant 2 : i32
        %dma_start3A_201 = arith.constant 0 : i32
        %dma_start3A_202 = arith.constant 0 : i32
        %dma_start3A_203 = arith.constant 256 : i32
        %dma_start3A_204 = arith.constant 0 : i32
        %dma_start3A_205 = tpu.memref_slice %arg10[%dma_start3A_201, %dma_start3A_203, %dma_start3A_204] : memref<3x512x64xf32, #tpu.memory_space<vmem>> -> memref<1x128x64xf32, #tpu.memory_space<vmem>>
        %dma_start3A_206 = tpu.memref_squeeze %dma_start3A_205 : memref<1x128x64xf32, #tpu.memory_space<vmem>> -> memref<128x64xf32, #tpu.memory_space<vmem>>
        %dma_start3A_207 = arith.constant 0 : i32
        %dma_start3A_208 = tpu.memref_slice %arg8[%dma_start3A_199, %dma_start3A_200, %dma_start3A_207] : memref<3x4x128xi32, #tpu.memory_space<vmem>> -> memref<1x1x128xi32, #tpu.memory_space<vmem>>
        %dma_start3A_209 = tpu.memref_squeeze %dma_start3A_208 : memref<1x1x128xi32, #tpu.memory_space<vmem>> -> memref<128xi32, #tpu.memory_space<vmem>>
        %dma_start3A_210 = arith.constant 0 : i32
        %dma_start3A_211 = arith.constant 0 : i32
        %dma_start3A_212 = tpu.memref_slice %arg9[%dma_start3A_210, %dma_start3A_211] : memref<200x64xf32, #tpu.memory_space<vmem_shared>> -> memref<200x64xf32, #tpu.memory_space<vmem_shared>>
        %dma_start3A_213 = tpu.memref_slice %arg12[%dma_start3A_202] : memref<3x!tpu.dma_semaphore, #tpu.memory_space<semaphore_mem>> -> memref<1x!tpu.dma_semaphore, #tpu.memory_space<semaphore_mem>>
        %dma_start3A_214 = tpu.memref_squeeze %dma_start3A_213 : memref<1x!tpu.dma_semaphore, #tpu.memory_space<semaphore_mem>> -> memref<!tpu.dma_semaphore, #tpu.memory_space<semaphore_mem>>
        tpu.enqueue_indirect_dma source(%dma_start3A_212 : memref<200x64xf32, #tpu.memory_space<vmem_shared>>) target(%dma_start3A_206 : memref<128x64xf32, #tpu.memory_space<vmem>>) offsets(%dma_start3A_209 : memref<128xi32, #tpu.memory_space<vmem>>) semaphore(%dma_start3A_214 : memref<!tpu.dma_semaphore, #tpu.memory_space<semaphore_mem>>) {add = true}
        %dma_start3A_215 = arith.constant 0 : i32
        %dma_start3A_216 = arith.constant 3 : i32
        %dma_start3A_217 = arith.constant 0 : i32
        %dma_start3A_218 = arith.constant 0 : i32
        %dma_start3A_219 = arith.constant 384 : i32
        %dma_start3A_220 = arith.constant 0 : i32
        %dma_start3A_221 = tpu.memref_slice %arg10[%dma_start3A_217, %dma_start3A_219, %dma_start3A_220] : memref<3x512x64xf32, #tpu.memory_space<vmem>> -> memref<1x128x64xf32, #tpu.memory_space<vmem>>
        %dma_start3A_222 = tpu.memref_squeeze %dma_start3A_221 : memref<1x128x64xf32, #tpu.memory_space<vmem>> -> memref<128x64xf32, #tpu.memory_space<vmem>>
        %dma_start3A_223 = arith.constant 0 : i32
        %dma_start3A_224 = tpu.memref_slice %arg8[%dma_start3A_215, %dma_start3A_216, %dma_start3A_223] : memref<3x4x128xi32, #tpu.memory_space<vmem>> -> memref<1x1x128xi32, #tpu.memory_space<vmem>>
        %dma_start3A_225 = tpu.memref_squeeze %dma_start3A_224 : memref<1x1x128xi32, #tpu.memory_space<vmem>> -> memref<128xi32, #tpu.memory_space<vmem>>
        %dma_start3A_226 = arith.constant 0 : i32
        %dma_start3A_227 = arith.constant 0 : i32
        %dma_start3A_228 = tpu.memref_slice %arg9[%dma_start3A_226, %dma_start3A_227] : memref<200x64xf32, #tpu.memory_space<vmem_shared>> -> memref<200x64xf32, #tpu.memory_space<vmem_shared>>
        %dma_start3A_229 = tpu.memref_slice %arg12[%dma_start3A_218] : memref<3x!tpu.dma_semaphore, #tpu.memory_space<semaphore_mem>> -> memref<1x!tpu.dma_semaphore, #tpu.memory_space<semaphore_mem>>
        %dma_start3A_230 = tpu.memref_squeeze %dma_start3A_229 : memref<1x!tpu.dma_semaphore, #tpu.memory_space<semaphore_mem>> -> memref<!tpu.dma_semaphore, #tpu.memory_space<semaphore_mem>>
        tpu.enqueue_indirect_dma source(%dma_start3A_228 : memref<200x64xf32, #tpu.memory_space<vmem_shared>>) target(%dma_start3A_222 : memref<128x64xf32, #tpu.memory_space<vmem>>) offsets(%dma_start3A_225 : memref<128xi32, #tpu.memory_space<vmem>>) semaphore(%dma_start3A_230 : memref<!tpu.dma_semaphore, #tpu.memory_space<semaphore_mem>>) {add = true}
      } else {
      }
      %ge3A_103 = arith.constant 2 : i32
      %ge3A_104 = arith.cmpi sge, %add3A_79, %ge3A_103 : i32
      %sub3A_105 = arith.constant 2 : i32
      %sub3A_106 = arith.subi %add3A_79, %sub3A_105 : i32
      %lt3A_107 = arith.constant 50 : i32
      %lt3A_108 = arith.cmpi slt, %sub3A_106, %lt3A_107 : i32
      %and3A_109 = arith.andi %ge3A_104, %lt3A_108 : i1
      %convert_element_type3A_110 = arith.extui %and3A_109 : i1 to i32
      %cond3A_111 = arith.constant 0 : i32
      %cond3A_112 = arith.cmpi ne, %convert_element_type3A_110, %cond3A_111 : i32
      scf.if %cond3A_112 {
        %sub3A_150 = arith.constant 2 : i32
        %sub3A_151 = arith.subi %add3A_79, %sub3A_150 : i32
        %mul3A_152 = arith.constant 512 : i32
        %mul3A_153 = arith.muli %sub3A_151, %mul3A_152 : i32
        %add3A_154 = arith.addi %mul3A_2, %mul3A_153 : i32
        %dma_wait3A_155 = arith.constant 2 : i32
        %dma_wait3A_156 = arith.constant 2 : i32
        %dma_wait3A_157 = arith.constant 0 : i32
        %dma_wait3A_158 = arith.constant 0 : i32
        %dma_wait3A_159 = tpu.memref_slice %arg10[%dma_wait3A_155, %dma_wait3A_157, %dma_wait3A_158] : memref<3x512x64xf32, #tpu.memory_space<vmem>> -> memref<1x512x64xf32, #tpu.memory_space<vmem>>
        %dma_wait3A_160 = tpu.memref_squeeze %dma_wait3A_159 : memref<1x512x64xf32, #tpu.memory_space<vmem>> -> memref<512x64xf32, #tpu.memory_space<vmem>>
        %dma_wait3A_161 = arith.constant 0 : i32
        %dma_wait3A_162 = arith.constant 0 : i32
        %dma_wait3A_163 = tpu.memref_slice %arg4[%dma_wait3A_161, %dma_wait3A_162] : memref<1000000x64xf32, #tpu.memory_space<hbm>> -> memref<512x64xf32, #tpu.memory_space<hbm>>
        %dma_wait3A_164 = tpu.memref_slice %arg12[%dma_wait3A_156] : memref<3x!tpu.dma_semaphore, #tpu.memory_space<semaphore_mem>> -> memref<1x!tpu.dma_semaphore, #tpu.memory_space<semaphore_mem>>
        %dma_wait3A_165 = tpu.memref_squeeze %dma_wait3A_164 : memref<1x!tpu.dma_semaphore, #tpu.memory_space<semaphore_mem>> -> memref<!tpu.dma_semaphore, #tpu.memory_space<semaphore_mem>>
        %dma_wait3A_166 = arith.constant 0 : i32
        %dma_wait3A_167 = arith.constant 0 : i32
        %dma_wait3A_168 = tpu.memref_slice %arg10[%dma_wait3A_155, %dma_wait3A_166, %dma_wait3A_167] : memref<3x512x64xf32, #tpu.memory_space<vmem>> -> memref<1x512x64xf32, #tpu.memory_space<vmem>>
        %dma_wait3A_169 = tpu.memref_squeeze %dma_wait3A_168 : memref<1x512x64xf32, #tpu.memory_space<vmem>> -> memref<512x64xf32, #tpu.memory_space<vmem>>
        %dma_wait3A_170 = arith.constant 0 : i32
        %dma_wait3A_171 = arith.constant 0 : i32
        %dma_wait3A_172 = tpu.memref_slice %arg4[%dma_wait3A_170, %dma_wait3A_171] : memref<1000000x64xf32, #tpu.memory_space<hbm>> -> memref<512x64xf32, #tpu.memory_space<hbm>>
        tpu.wait_dma2 semaphore(%dma_wait3A_165 : memref<!tpu.dma_semaphore, #tpu.memory_space<semaphore_mem>>) src(%dma_wait3A_172 : memref<512x64xf32, #tpu.memory_space<hbm>>) dst(%dma_wait3A_169 : memref<512x64xf32, #tpu.memory_space<vmem>>)
        %dma_start3A = arith.constant 2 : i32
        %dma_start3A_173 = arith.constant 2 : i32
        %dma_start3A_174 = arith.constant 0 : i32
        %dma_start3A_175 = arith.constant 0 : i32
        %dma_start3A_176 = tpu.memref_slice %arg10[%dma_start3A, %dma_start3A_174, %dma_start3A_175] : memref<3x512x64xf32, #tpu.memory_space<vmem>> -> memref<1x512x64xf32, #tpu.memory_space<vmem>>
        %dma_start3A_177 = tpu.memref_squeeze %dma_start3A_176 : memref<1x512x64xf32, #tpu.memory_space<vmem>> -> memref<512x64xf32, #tpu.memory_space<vmem>>
        %dma_start3A_178 = arith.constant 0 : i32
        %dma_start3A_179 = tpu.memref_slice %arg6[%add3A_154, %dma_start3A_178] : memref<819200x64xf32, #tpu.memory_space<hbm>> -> memref<512x64xf32, #tpu.memory_space<hbm>>
        %dma_start3A_180 = tpu.memref_slice %arg13[%dma_start3A_173] : memref<3x!tpu.dma_semaphore, #tpu.memory_space<semaphore_mem>> -> memref<1x!tpu.dma_semaphore, #tpu.memory_space<semaphore_mem>>
        %dma_start3A_181 = tpu.memref_squeeze %dma_start3A_180 : memref<1x!tpu.dma_semaphore, #tpu.memory_space<semaphore_mem>> -> memref<!tpu.dma_semaphore, #tpu.memory_space<semaphore_mem>>
        %dma_start3A_182 = arith.constant 0 : i32
        %dma_start3A_183 = tpu.memref_slice %arg6[%add3A_154, %dma_start3A_182] : memref<819200x64xf32, #tpu.memory_space<hbm>> -> memref<512x64xf32, #tpu.memory_space<hbm>>
        %dma_start3A_184 = arith.constant 0 : i32
        %dma_start3A_185 = arith.constant 0 : i32
        %dma_start3A_186 = tpu.memref_slice %arg10[%dma_start3A, %dma_start3A_184, %dma_start3A_185] : memref<3x512x64xf32, #tpu.memory_space<vmem>> -> memref<1x512x64xf32, #tpu.memory_space<vmem>>
        %dma_start3A_187 = tpu.memref_squeeze %dma_start3A_186 : memref<1x512x64xf32, #tpu.memory_space<vmem>> -> memref<512x64xf32, #tpu.memory_space<vmem>>
        tpu.enqueue_dma source(%dma_start3A_187 : memref<512x64xf32, #tpu.memory_space<vmem>>) target(%dma_start3A_183 : memref<512x64xf32, #tpu.memory_space<hbm>>) target_semaphore(%dma_start3A_181 : memref<!tpu.dma_semaphore, #tpu.memory_space<semaphore_mem>>)
      } else {
      }
      %mul3A_113 = arith.constant 3 : i32
      %mul3A_114 = arith.muli %add3A_42, %mul3A_113 : i32
      %add3A_115 = arith.constant 2 : i32
      %add3A_116 = arith.addi %mul3A_114, %add3A_115 : i32
      %ge3A_117 = arith.constant 3 : i32
      %ge3A_118 = arith.cmpi sge, %add3A_116, %ge3A_117 : i32
      %lt3A_119 = arith.constant 50 : i32
      %lt3A_120 = arith.cmpi slt, %add3A_116, %lt3A_119 : i32
      %and3A_121 = arith.andi %ge3A_118, %lt3A_120 : i1
      %convert_element_type3A_122 = arith.extui %and3A_121 : i1 to i32
      %cond3A_123 = arith.constant 0 : i32
      %cond3A_124 = arith.cmpi ne, %convert_element_type3A_122, %cond3A_123 : i32
      scf.if %cond3A_124 {
        %sub3A_150 = arith.constant 3 : i32
        %sub3A_151 = arith.subi %add3A_116, %sub3A_150 : i32
        %mul3A_152 = arith.constant 512 : i32
        %mul3A_153 = arith.muli %sub3A_151, %mul3A_152 : i32
        %add3A_154 = arith.addi %mul3A_2, %mul3A_153 : i32
        %dma_wait3A_155 = arith.constant 2 : i32
        %dma_wait3A_156 = tpu.memref_slice %arg13[%dma_wait3A_155] : memref<3x!tpu.dma_semaphore, #tpu.memory_space<semaphore_mem>> -> memref<1x!tpu.dma_semaphore, #tpu.memory_space<semaphore_mem>>
        %dma_wait3A_157 = tpu.memref_squeeze %dma_wait3A_156 : memref<1x!tpu.dma_semaphore, #tpu.memory_space<semaphore_mem>> -> memref<!tpu.dma_semaphore, #tpu.memory_space<semaphore_mem>>
        %dma_wait3A_158 = arith.constant 0 : i32
        %dma_wait3A_159 = tpu.memref_slice %arg6[%add3A_154, %dma_wait3A_158] : memref<819200x64xf32, #tpu.memory_space<hbm>> -> memref<512x64xf32, #tpu.memory_space<hbm>>
        %dma_wait3A_160 = arith.constant 0 : i32
        %dma_wait3A_161 = arith.constant 0 : i32
        %dma_wait3A_162 = tpu.memref_slice %arg4[%dma_wait3A_160, %dma_wait3A_161] : memref<1000000x64xf32, #tpu.memory_space<hbm>> -> memref<512x64xf32, #tpu.memory_space<hbm>>
        tpu.wait_dma2 semaphore(%dma_wait3A_157 : memref<!tpu.dma_semaphore, #tpu.memory_space<semaphore_mem>>) src(%dma_wait3A_162 : memref<512x64xf32, #tpu.memory_space<hbm>>) dst(%dma_wait3A_159 : memref<512x64xf32, #tpu.memory_space<hbm>>)
      } else {
      }
      %lt3A_125 = arith.constant 50 : i32
      %lt3A_126 = arith.cmpi slt, %add3A_116, %lt3A_125 : i32
      %convert_element_type3A_127 = arith.extui %lt3A_126 : i1 to i32
      %cond3A_128 = arith.constant 0 : i32
      %cond3A_129 = arith.cmpi ne, %convert_element_type3A_127, %cond3A_128 : i32
      scf.if %cond3A_129 {
        %mul3A_150 = arith.constant 512 : i32
        %mul3A_151 = arith.muli %add3A_116, %mul3A_150 : i32
        %add3A_152 = arith.addi %mul3A_2, %mul3A_151 : i32
        %jit3A = arith.constant 128 : i32
        %div3A = arith.divsi %add3A_152, %jit3A : i32
        %sign3A = arith.constant 0 : i32
        %sign3A_153 = arith.cmpi sgt, %add3A_152, %sign3A : i32
        %sign3A_154 = arith.extui %sign3A_153 : i1 to i32
        %sign3A_155 = arith.constant 0 : i32
        %sign3A_156 = arith.cmpi slt, %add3A_152, %sign3A_155 : i32
        %sign3A_157 = arith.extui %sign3A_156 : i1 to i32
        %sign3A_158 = arith.subi %sign3A_154, %sign3A_157 : i32
        %sign3A_159 = arith.constant 0 : i32
        %sign3A_160 = arith.cmpi sgt, %jit3A, %sign3A_159 : i32
        %sign3A_161 = arith.extui %sign3A_160 : i1 to i32
        %sign3A_162 = arith.constant 0 : i32
        %sign3A_163 = arith.cmpi slt, %jit3A, %sign3A_162 : i32
        %sign3A_164 = arith.extui %sign3A_163 : i1 to i32
        %sign3A_165 = arith.subi %sign3A_161, %sign3A_164 : i32
        %ne3A = arith.cmpi ne, %sign3A_158, %sign3A_165 : i32
        %rem3A = arith.remsi %add3A_152, %jit3A : i32
        %ne3A_166 = arith.constant 0 : i32
        %ne3A_167 = arith.cmpi ne, %rem3A, %ne3A_166 : i32
        %and3A_168 = arith.andi %ne3A, %ne3A_167 : i1
        %sub3A_169 = arith.constant 1 : i32
        %sub3A_170 = arith.subi %div3A, %sub3A_169 : i32
        %select_n3A = arith.select %and3A_168, %sub3A_170, %div3A : i32
        %run_scoped3A = arith.constant 2 : i32
        "tpu.region"() ({
          %run_scoped3A_235 = tpu.sem_alloc : memref<!tpu.dma_semaphore, #tpu.memory_space<semaphore_mem>>
          %dma_start3A_236 = arith.constant 0 : i32
          %dma_start3A_237 = arith.constant 0 : i32
          %dma_start3A_238 = tpu.memref_slice %arg7[%run_scoped3A, %dma_start3A_236, %dma_start3A_237] : memref<3x4x128xi32, #tpu.memory_space<vmem>> -> memref<1x4x128xi32, #tpu.memory_space<vmem>>
          %dma_start3A_239 = tpu.memref_squeeze %dma_start3A_238 : memref<1x4x128xi32, #tpu.memory_space<vmem>> -> memref<4x128xi32, #tpu.memory_space<vmem>>
          %dma_start3A_240 = arith.constant 0 : i32
          %dma_start3A_241 = tpu.memref_slice %arg2[%select_n3A, %dma_start3A_240] : memref<6400x128xi32, #tpu.memory_space<hbm>> -> memref<4x128xi32, #tpu.memory_space<hbm>>
          %dma_start3A_242 = arith.constant 0 : i32
          %dma_start3A_243 = arith.constant 0 : i32
          %dma_start3A_244 = tpu.memref_slice %arg7[%run_scoped3A, %dma_start3A_242, %dma_start3A_243] : memref<3x4x128xi32, #tpu.memory_space<vmem>> -> memref<1x4x128xi32, #tpu.memory_space<vmem>>
          %dma_start3A_245 = tpu.memref_squeeze %dma_start3A_244 : memref<1x4x128xi32, #tpu.memory_space<vmem>> -> memref<4x128xi32, #tpu.memory_space<vmem>>
          %dma_start3A_246 = arith.constant 0 : i32
          %dma_start3A_247 = tpu.memref_slice %arg2[%select_n3A, %dma_start3A_246] : memref<6400x128xi32, #tpu.memory_space<hbm>> -> memref<4x128xi32, #tpu.memory_space<hbm>>
          tpu.enqueue_dma source(%dma_start3A_247 : memref<4x128xi32, #tpu.memory_space<hbm>>) target(%dma_start3A_245 : memref<4x128xi32, #tpu.memory_space<vmem>>) target_semaphore(%run_scoped3A_235 : memref<!tpu.dma_semaphore, #tpu.memory_space<semaphore_mem>>)
          %dma_wait3A_248 = arith.constant 0 : i32
          %dma_wait3A_249 = arith.constant 0 : i32
          %dma_wait3A_250 = tpu.memref_slice %arg7[%run_scoped3A, %dma_wait3A_248, %dma_wait3A_249] : memref<3x4x128xi32, #tpu.memory_space<vmem>> -> memref<1x4x128xi32, #tpu.memory_space<vmem>>
          %dma_wait3A_251 = tpu.memref_squeeze %dma_wait3A_250 : memref<1x4x128xi32, #tpu.memory_space<vmem>> -> memref<4x128xi32, #tpu.memory_space<vmem>>
          %dma_wait3A_252 = arith.constant 0 : i32
          %dma_wait3A_253 = tpu.memref_slice %arg2[%select_n3A, %dma_wait3A_252] : memref<6400x128xi32, #tpu.memory_space<hbm>> -> memref<4x128xi32, #tpu.memory_space<hbm>>
          %dma_wait3A_254 = arith.constant 0 : i32
          %dma_wait3A_255 = arith.constant 0 : i32
          %dma_wait3A_256 = tpu.memref_slice %arg7[%run_scoped3A, %dma_wait3A_254, %dma_wait3A_255] : memref<3x4x128xi32, #tpu.memory_space<vmem>> -> memref<1x4x128xi32, #tpu.memory_space<vmem>>
          %dma_wait3A_257 = tpu.memref_squeeze %dma_wait3A_256 : memref<1x4x128xi32, #tpu.memory_space<vmem>> -> memref<4x128xi32, #tpu.memory_space<vmem>>
          %dma_wait3A_258 = arith.constant 0 : i32
          %dma_wait3A_259 = tpu.memref_slice %arg2[%select_n3A, %dma_wait3A_258] : memref<6400x128xi32, #tpu.memory_space<hbm>> -> memref<4x128xi32, #tpu.memory_space<hbm>>
          tpu.wait_dma2 semaphore(%run_scoped3A_235 : memref<!tpu.dma_semaphore, #tpu.memory_space<semaphore_mem>>) src(%dma_wait3A_259 : memref<4x128xi32, #tpu.memory_space<hbm>>) dst(%dma_wait3A_257 : memref<4x128xi32, #tpu.memory_space<vmem>>)
          tpu.yield
        }) : () -> ()
        %run_scoped3A_171 = arith.constant 2 : i32
        "tpu.region"() ({
          %run_scoped3A_235 = tpu.sem_alloc : memref<!tpu.dma_semaphore, #tpu.memory_space<semaphore_mem>>
          %dma_start3A_236 = arith.constant 0 : i32
          %dma_start3A_237 = arith.constant 0 : i32
          %dma_start3A_238 = tpu.memref_slice %arg8[%run_scoped3A_171, %dma_start3A_236, %dma_start3A_237] : memref<3x4x128xi32, #tpu.memory_space<vmem>> -> memref<1x4x128xi32, #tpu.memory_space<vmem>>
          %dma_start3A_239 = tpu.memref_squeeze %dma_start3A_238 : memref<1x4x128xi32, #tpu.memory_space<vmem>> -> memref<4x128xi32, #tpu.memory_space<vmem>>
          %dma_start3A_240 = arith.constant 0 : i32
          %dma_start3A_241 = tpu.memref_slice %arg3[%select_n3A, %dma_start3A_240] : memref<6400x128xi32, #tpu.memory_space<hbm>> -> memref<4x128xi32, #tpu.memory_space<hbm>>
          %dma_start3A_242 = arith.constant 0 : i32
          %dma_start3A_243 = arith.constant 0 : i32
          %dma_start3A_244 = tpu.memref_slice %arg8[%run_scoped3A_171, %dma_start3A_242, %dma_start3A_243] : memref<3x4x128xi32, #tpu.memory_space<vmem>> -> memref<1x4x128xi32, #tpu.memory_space<vmem>>
          %dma_start3A_245 = tpu.memref_squeeze %dma_start3A_244 : memref<1x4x128xi32, #tpu.memory_space<vmem>> -> memref<4x128xi32, #tpu.memory_space<vmem>>
          %dma_start3A_246 = arith.constant 0 : i32
          %dma_start3A_247 = tpu.memref_slice %arg3[%select_n3A, %dma_start3A_246] : memref<6400x128xi32, #tpu.memory_space<hbm>> -> memref<4x128xi32, #tpu.memory_space<hbm>>
          tpu.enqueue_dma source(%dma_start3A_247 : memref<4x128xi32, #tpu.memory_space<hbm>>) target(%dma_start3A_245 : memref<4x128xi32, #tpu.memory_space<vmem>>) target_semaphore(%run_scoped3A_235 : memref<!tpu.dma_semaphore, #tpu.memory_space<semaphore_mem>>)
          %dma_wait3A_248 = arith.constant 0 : i32
          %dma_wait3A_249 = arith.constant 0 : i32
          %dma_wait3A_250 = tpu.memref_slice %arg8[%run_scoped3A_171, %dma_wait3A_248, %dma_wait3A_249] : memref<3x4x128xi32, #tpu.memory_space<vmem>> -> memref<1x4x128xi32, #tpu.memory_space<vmem>>
          %dma_wait3A_251 = tpu.memref_squeeze %dma_wait3A_250 : memref<1x4x128xi32, #tpu.memory_space<vmem>> -> memref<4x128xi32, #tpu.memory_space<vmem>>
          %dma_wait3A_252 = arith.constant 0 : i32
          %dma_wait3A_253 = tpu.memref_slice %arg3[%select_n3A, %dma_wait3A_252] : memref<6400x128xi32, #tpu.memory_space<hbm>> -> memref<4x128xi32, #tpu.memory_space<hbm>>
          %dma_wait3A_254 = arith.constant 0 : i32
          %dma_wait3A_255 = arith.constant 0 : i32
          %dma_wait3A_256 = tpu.memref_slice %arg8[%run_scoped3A_171, %dma_wait3A_254, %dma_wait3A_255] : memref<3x4x128xi32, #tpu.memory_space<vmem>> -> memref<1x4x128xi32, #tpu.memory_space<vmem>>
          %dma_wait3A_257 = tpu.memref_squeeze %dma_wait3A_256 : memref<1x4x128xi32, #tpu.memory_space<vmem>> -> memref<4x128xi32, #tpu.memory_space<vmem>>
          %dma_wait3A_258 = arith.constant 0 : i32
          %dma_wait3A_259 = tpu.memref_slice %arg3[%select_n3A, %dma_wait3A_258] : memref<6400x128xi32, #tpu.memory_space<hbm>> -> memref<4x128xi32, #tpu.memory_space<hbm>>
          tpu.wait_dma2 semaphore(%run_scoped3A_235 : memref<!tpu.dma_semaphore, #tpu.memory_space<semaphore_mem>>) src(%dma_wait3A_259 : memref<4x128xi32, #tpu.memory_space<hbm>>) dst(%dma_wait3A_257 : memref<4x128xi32, #tpu.memory_space<vmem>>)
          tpu.yield
        }) : () -> ()
        %dma_start3A = arith.constant 2 : i32
        %dma_start3A_172 = arith.constant 0 : i32
        %dma_start3A_173 = arith.constant 2 : i32
        %dma_start3A_174 = arith.constant 2 : i32
        %dma_start3A_175 = arith.constant 0 : i32
        %dma_start3A_176 = arith.constant 0 : i32
        %dma_start3A_177 = tpu.memref_slice %arg10[%dma_start3A_173, %dma_start3A_175, %dma_start3A_176] : memref<3x512x64xf32, #tpu.memory_space<vmem>> -> memref<1x128x64xf32, #tpu.memory_space<vmem>>
        %dma_start3A_178 = tpu.memref_squeeze %dma_start3A_177 : memref<1x128x64xf32, #tpu.memory_space<vmem>> -> memref<128x64xf32, #tpu.memory_space<vmem>>
        %dma_start3A_179 = arith.constant 0 : i32
        %dma_start3A_180 = tpu.memref_slice %arg7[%dma_start3A, %dma_start3A_172, %dma_start3A_179] : memref<3x4x128xi32, #tpu.memory_space<vmem>> -> memref<1x1x128xi32, #tpu.memory_space<vmem>>
        %dma_start3A_181 = tpu.memref_squeeze %dma_start3A_180 : memref<1x1x128xi32, #tpu.memory_space<vmem>> -> memref<128xi32, #tpu.memory_space<vmem>>
        %dma_start3A_182 = arith.constant 0 : i32
        %dma_start3A_183 = arith.constant 0 : i32
        %dma_start3A_184 = tpu.memref_slice %arg4[%dma_start3A_182, %dma_start3A_183] : memref<1000000x64xf32, #tpu.memory_space<hbm>> -> memref<1000000x64xf32, #tpu.memory_space<hbm>>
        %dma_start3A_185 = tpu.memref_slice %arg11[%dma_start3A_174] : memref<3x!tpu.dma_semaphore, #tpu.memory_space<semaphore_mem>> -> memref<1x!tpu.dma_semaphore, #tpu.memory_space<semaphore_mem>>
        %dma_start3A_186 = tpu.memref_squeeze %dma_start3A_185 : memref<1x!tpu.dma_semaphore, #tpu.memory_space<semaphore_mem>> -> memref<!tpu.dma_semaphore, #tpu.memory_space<semaphore_mem>>
        tpu.enqueue_indirect_dma source(%dma_start3A_184 : memref<1000000x64xf32, #tpu.memory_space<hbm>>) target(%dma_start3A_178 : memref<128x64xf32, #tpu.memory_space<vmem>>) offsets(%dma_start3A_181 : memref<128xi32, #tpu.memory_space<vmem>>) semaphore(%dma_start3A_186 : memref<!tpu.dma_semaphore, #tpu.memory_space<semaphore_mem>>)
        %dma_start3A_187 = arith.constant 2 : i32
        %dma_start3A_188 = arith.constant 1 : i32
        %dma_start3A_189 = arith.constant 2 : i32
        %dma_start3A_190 = arith.constant 2 : i32
        %dma_start3A_191 = arith.constant 128 : i32
        %dma_start3A_192 = arith.constant 0 : i32
        %dma_start3A_193 = tpu.memref_slice %arg10[%dma_start3A_189, %dma_start3A_191, %dma_start3A_192] : memref<3x512x64xf32, #tpu.memory_space<vmem>> -> memref<1x128x64xf32, #tpu.memory_space<vmem>>
        %dma_start3A_194 = tpu.memref_squeeze %dma_start3A_193 : memref<1x128x64xf32, #tpu.memory_space<vmem>> -> memref<128x64xf32, #tpu.memory_space<vmem>>
        %dma_start3A_195 = arith.constant 0 : i32
        %dma_start3A_196 = tpu.memref_slice %arg7[%dma_start3A_187, %dma_start3A_188, %dma_start3A_195] : memref<3x4x128xi32, #tpu.memory_space<vmem>> -> memref<1x1x128xi32, #tpu.memory_space<vmem>>
        %dma_start3A_197 = tpu.memref_squeeze %dma_start3A_196 : memref<1x1x128xi32, #tpu.memory_space<vmem>> -> memref<128xi32, #tpu.memory_space<vmem>>
        %dma_start3A_198 = arith.constant 0 : i32
        %dma_start3A_199 = arith.constant 0 : i32
        %dma_start3A_200 = tpu.memref_slice %arg4[%dma_start3A_198, %dma_start3A_199] : memref<1000000x64xf32, #tpu.memory_space<hbm>> -> memref<1000000x64xf32, #tpu.memory_space<hbm>>
        %dma_start3A_201 = tpu.memref_slice %arg11[%dma_start3A_190] : memref<3x!tpu.dma_semaphore, #tpu.memory_space<semaphore_mem>> -> memref<1x!tpu.dma_semaphore, #tpu.memory_space<semaphore_mem>>
        %dma_start3A_202 = tpu.memref_squeeze %dma_start3A_201 : memref<1x!tpu.dma_semaphore, #tpu.memory_space<semaphore_mem>> -> memref<!tpu.dma_semaphore, #tpu.memory_space<semaphore_mem>>
        tpu.enqueue_indirect_dma source(%dma_start3A_200 : memref<1000000x64xf32, #tpu.memory_space<hbm>>) target(%dma_start3A_194 : memref<128x64xf32, #tpu.memory_space<vmem>>) offsets(%dma_start3A_197 : memref<128xi32, #tpu.memory_space<vmem>>) semaphore(%dma_start3A_202 : memref<!tpu.dma_semaphore, #tpu.memory_space<semaphore_mem>>)
        %dma_start3A_203 = arith.constant 2 : i32
        %dma_start3A_204 = arith.constant 2 : i32
        %dma_start3A_205 = arith.constant 2 : i32
        %dma_start3A_206 = arith.constant 2 : i32
        %dma_start3A_207 = arith.constant 256 : i32
        %dma_start3A_208 = arith.constant 0 : i32
        %dma_start3A_209 = tpu.memref_slice %arg10[%dma_start3A_205, %dma_start3A_207, %dma_start3A_208] : memref<3x512x64xf32, #tpu.memory_space<vmem>> -> memref<1x128x64xf32, #tpu.memory_space<vmem>>
        %dma_start3A_210 = tpu.memref_squeeze %dma_start3A_209 : memref<1x128x64xf32, #tpu.memory_space<vmem>> -> memref<128x64xf32, #tpu.memory_space<vmem>>
        %dma_start3A_211 = arith.constant 0 : i32
        %dma_start3A_212 = tpu.memref_slice %arg7[%dma_start3A_203, %dma_start3A_204, %dma_start3A_211] : memref<3x4x128xi32, #tpu.memory_space<vmem>> -> memref<1x1x128xi32, #tpu.memory_space<vmem>>
        %dma_start3A_213 = tpu.memref_squeeze %dma_start3A_212 : memref<1x1x128xi32, #tpu.memory_space<vmem>> -> memref<128xi32, #tpu.memory_space<vmem>>
        %dma_start3A_214 = arith.constant 0 : i32
        %dma_start3A_215 = arith.constant 0 : i32
        %dma_start3A_216 = tpu.memref_slice %arg4[%dma_start3A_214, %dma_start3A_215] : memref<1000000x64xf32, #tpu.memory_space<hbm>> -> memref<1000000x64xf32, #tpu.memory_space<hbm>>
        %dma_start3A_217 = tpu.memref_slice %arg11[%dma_start3A_206] : memref<3x!tpu.dma_semaphore, #tpu.memory_space<semaphore_mem>> -> memref<1x!tpu.dma_semaphore, #tpu.memory_space<semaphore_mem>>
        %dma_start3A_218 = tpu.memref_squeeze %dma_start3A_217 : memref<1x!tpu.dma_semaphore, #tpu.memory_space<semaphore_mem>> -> memref<!tpu.dma_semaphore, #tpu.memory_space<semaphore_mem>>
        tpu.enqueue_indirect_dma source(%dma_start3A_216 : memref<1000000x64xf32, #tpu.memory_space<hbm>>) target(%dma_start3A_210 : memref<128x64xf32, #tpu.memory_space<vmem>>) offsets(%dma_start3A_213 : memref<128xi32, #tpu.memory_space<vmem>>) semaphore(%dma_start3A_218 : memref<!tpu.dma_semaphore, #tpu.memory_space<semaphore_mem>>)
        %dma_start3A_219 = arith.constant 2 : i32
        %dma_start3A_220 = arith.constant 3 : i32
        %dma_start3A_221 = arith.constant 2 : i32
        %dma_start3A_222 = arith.constant 2 : i32
        %dma_start3A_223 = arith.constant 384 : i32
        %dma_start3A_224 = arith.constant 0 : i32
        %dma_start3A_225 = tpu.memref_slice %arg10[%dma_start3A_221, %dma_start3A_223, %dma_start3A_224] : memref<3x512x64xf32, #tpu.memory_space<vmem>> -> memref<1x128x64xf32, #tpu.memory_space<vmem>>
        %dma_start3A_226 = tpu.memref_squeeze %dma_start3A_225 : memref<1x128x64xf32, #tpu.memory_space<vmem>> -> memref<128x64xf32, #tpu.memory_space<vmem>>
        %dma_start3A_227 = arith.constant 0 : i32
        %dma_start3A_228 = tpu.memref_slice %arg7[%dma_start3A_219, %dma_start3A_220, %dma_start3A_227] : memref<3x4x128xi32, #tpu.memory_space<vmem>> -> memref<1x1x128xi32, #tpu.memory_space<vmem>>
        %dma_start3A_229 = tpu.memref_squeeze %dma_start3A_228 : memref<1x1x128xi32, #tpu.memory_space<vmem>> -> memref<128xi32, #tpu.memory_space<vmem>>
        %dma_start3A_230 = arith.constant 0 : i32
        %dma_start3A_231 = arith.constant 0 : i32
        %dma_start3A_232 = tpu.memref_slice %arg4[%dma_start3A_230, %dma_start3A_231] : memref<1000000x64xf32, #tpu.memory_space<hbm>> -> memref<1000000x64xf32, #tpu.memory_space<hbm>>
        %dma_start3A_233 = tpu.memref_slice %arg11[%dma_start3A_222] : memref<3x!tpu.dma_semaphore, #tpu.memory_space<semaphore_mem>> -> memref<1x!tpu.dma_semaphore, #tpu.memory_space<semaphore_mem>>
        %dma_start3A_234 = tpu.memref_squeeze %dma_start3A_233 : memref<1x!tpu.dma_semaphore, #tpu.memory_space<semaphore_mem>> -> memref<!tpu.dma_semaphore, #tpu.memory_space<semaphore_mem>>
        tpu.enqueue_indirect_dma source(%dma_start3A_232 : memref<1000000x64xf32, #tpu.memory_space<hbm>>) target(%dma_start3A_226 : memref<128x64xf32, #tpu.memory_space<vmem>>) offsets(%dma_start3A_229 : memref<128xi32, #tpu.memory_space<vmem>>) semaphore(%dma_start3A_234 : memref<!tpu.dma_semaphore, #tpu.memory_space<semaphore_mem>>)
      } else {
      }
      %ge3A_130 = arith.constant 1 : i32
      %ge3A_131 = arith.cmpi sge, %add3A_116, %ge3A_130 : i32
      %sub3A_132 = arith.constant 1 : i32
      %sub3A_133 = arith.subi %add3A_116, %sub3A_132 : i32
      %lt3A_134 = arith.constant 50 : i32
      %lt3A_135 = arith.cmpi slt, %sub3A_133, %lt3A_134 : i32
      %and3A_136 = arith.andi %ge3A_131, %lt3A_135 : i1
      %convert_element_type3A_137 = arith.extui %and3A_136 : i1 to i32
      %cond3A_138 = arith.constant 0 : i32
      %cond3A_139 = arith.cmpi ne, %convert_element_type3A_137, %cond3A_138 : i32
      scf.if %cond3A_139 {
        %dma_wait3A_150 = arith.constant 1 : i32
        %dma_wait3A_151 = arith.constant 1 : i32
        %dma_wait3A_152 = arith.constant 0 : i32
        %dma_wait3A_153 = arith.constant 0 : i32
        %dma_wait3A_154 = tpu.memref_slice %arg10[%dma_wait3A_150, %dma_wait3A_152, %dma_wait3A_153] : memref<3x512x64xf32, #tpu.memory_space<vmem>> -> memref<1x512x64xf32, #tpu.memory_space<vmem>>
        %dma_wait3A_155 = tpu.memref_squeeze %dma_wait3A_154 : memref<1x512x64xf32, #tpu.memory_space<vmem>> -> memref<512x64xf32, #tpu.memory_space<vmem>>
        %dma_wait3A_156 = arith.constant 0 : i32
        %dma_wait3A_157 = arith.constant 0 : i32
        %dma_wait3A_158 = tpu.memref_slice %arg4[%dma_wait3A_156, %dma_wait3A_157] : memref<1000000x64xf32, #tpu.memory_space<hbm>> -> memref<512x64xf32, #tpu.memory_space<hbm>>
        %dma_wait3A_159 = tpu.memref_slice %arg11[%dma_wait3A_151] : memref<3x!tpu.dma_semaphore, #tpu.memory_space<semaphore_mem>> -> memref<1x!tpu.dma_semaphore, #tpu.memory_space<semaphore_mem>>
        %dma_wait3A_160 = tpu.memref_squeeze %dma_wait3A_159 : memref<1x!tpu.dma_semaphore, #tpu.memory_space<semaphore_mem>> -> memref<!tpu.dma_semaphore, #tpu.memory_space<semaphore_mem>>
        %dma_wait3A_161 = arith.constant 0 : i32
        %dma_wait3A_162 = arith.constant 0 : i32
        %dma_wait3A_163 = tpu.memref_slice %arg10[%dma_wait3A_150, %dma_wait3A_161, %dma_wait3A_162] : memref<3x512x64xf32, #tpu.memory_space<vmem>> -> memref<1x512x64xf32, #tpu.memory_space<vmem>>
        %dma_wait3A_164 = tpu.memref_squeeze %dma_wait3A_163 : memref<1x512x64xf32, #tpu.memory_space<vmem>> -> memref<512x64xf32, #tpu.memory_space<vmem>>
        %dma_wait3A_165 = arith.constant 0 : i32
        %dma_wait3A_166 = arith.constant 0 : i32
        %dma_wait3A_167 = tpu.memref_slice %arg4[%dma_wait3A_165, %dma_wait3A_166] : memref<1000000x64xf32, #tpu.memory_space<hbm>> -> memref<512x64xf32, #tpu.memory_space<hbm>>
        tpu.wait_dma2 semaphore(%dma_wait3A_160 : memref<!tpu.dma_semaphore, #tpu.memory_space<semaphore_mem>>) src(%dma_wait3A_167 : memref<512x64xf32, #tpu.memory_space<hbm>>) dst(%dma_wait3A_164 : memref<512x64xf32, #tpu.memory_space<vmem>>)
        %dma_start3A = arith.constant 1 : i32
        %dma_start3A_168 = arith.constant 0 : i32
        %dma_start3A_169 = arith.constant 1 : i32
        %dma_start3A_170 = arith.constant 1 : i32
        %dma_start3A_171 = arith.constant 0 : i32
        %dma_start3A_172 = arith.constant 0 : i32
        %dma_start3A_173 = tpu.memref_slice %arg10[%dma_start3A_169, %dma_start3A_171, %dma_start3A_172] : memref<3x512x64xf32, #tpu.memory_space<vmem>> -> memref<1x128x64xf32, #tpu.memory_space<vmem>>
        %dma_start3A_174 = tpu.memref_squeeze %dma_start3A_173 : memref<1x128x64xf32, #tpu.memory_space<vmem>> -> memref<128x64xf32, #tpu.memory_space<vmem>>
        %dma_start3A_175 = arith.constant 0 : i32
        %dma_start3A_176 = tpu.memref_slice %arg8[%dma_start3A, %dma_start3A_168, %dma_start3A_175] : memref<3x4x128xi32, #tpu.memory_space<vmem>> -> memref<1x1x128xi32, #tpu.memory_space<vmem>>
        %dma_start3A_177 = tpu.memref_squeeze %dma_start3A_176 : memref<1x1x128xi32, #tpu.memory_space<vmem>> -> memref<128xi32, #tpu.memory_space<vmem>>
        %dma_start3A_178 = arith.constant 0 : i32
        %dma_start3A_179 = arith.constant 0 : i32
        %dma_start3A_180 = tpu.memref_slice %arg9[%dma_start3A_178, %dma_start3A_179] : memref<200x64xf32, #tpu.memory_space<vmem_shared>> -> memref<200x64xf32, #tpu.memory_space<vmem_shared>>
        %dma_start3A_181 = tpu.memref_slice %arg12[%dma_start3A_170] : memref<3x!tpu.dma_semaphore, #tpu.memory_space<semaphore_mem>> -> memref<1x!tpu.dma_semaphore, #tpu.memory_space<semaphore_mem>>
        %dma_start3A_182 = tpu.memref_squeeze %dma_start3A_181 : memref<1x!tpu.dma_semaphore, #tpu.memory_space<semaphore_mem>> -> memref<!tpu.dma_semaphore, #tpu.memory_space<semaphore_mem>>
        tpu.enqueue_indirect_dma source(%dma_start3A_180 : memref<200x64xf32, #tpu.memory_space<vmem_shared>>) target(%dma_start3A_174 : memref<128x64xf32, #tpu.memory_space<vmem>>) offsets(%dma_start3A_177 : memref<128xi32, #tpu.memory_space<vmem>>) semaphore(%dma_start3A_182 : memref<!tpu.dma_semaphore, #tpu.memory_space<semaphore_mem>>) {add = true}
        %dma_start3A_183 = arith.constant 1 : i32
        %dma_start3A_184 = arith.constant 1 : i32
        %dma_start3A_185 = arith.constant 1 : i32
        %dma_start3A_186 = arith.constant 1 : i32
        %dma_start3A_187 = arith.constant 128 : i32
        %dma_start3A_188 = arith.constant 0 : i32
        %dma_start3A_189 = tpu.memref_slice %arg10[%dma_start3A_185, %dma_start3A_187, %dma_start3A_188] : memref<3x512x64xf32, #tpu.memory_space<vmem>> -> memref<1x128x64xf32, #tpu.memory_space<vmem>>
        %dma_start3A_190 = tpu.memref_squeeze %dma_start3A_189 : memref<1x128x64xf32, #tpu.memory_space<vmem>> -> memref<128x64xf32, #tpu.memory_space<vmem>>
        %dma_start3A_191 = arith.constant 0 : i32
        %dma_start3A_192 = tpu.memref_slice %arg8[%dma_start3A_183, %dma_start3A_184, %dma_start3A_191] : memref<3x4x128xi32, #tpu.memory_space<vmem>> -> memref<1x1x128xi32, #tpu.memory_space<vmem>>
        %dma_start3A_193 = tpu.memref_squeeze %dma_start3A_192 : memref<1x1x128xi32, #tpu.memory_space<vmem>> -> memref<128xi32, #tpu.memory_space<vmem>>
        %dma_start3A_194 = arith.constant 0 : i32
        %dma_start3A_195 = arith.constant 0 : i32
        %dma_start3A_196 = tpu.memref_slice %arg9[%dma_start3A_194, %dma_start3A_195] : memref<200x64xf32, #tpu.memory_space<vmem_shared>> -> memref<200x64xf32, #tpu.memory_space<vmem_shared>>
        %dma_start3A_197 = tpu.memref_slice %arg12[%dma_start3A_186] : memref<3x!tpu.dma_semaphore, #tpu.memory_space<semaphore_mem>> -> memref<1x!tpu.dma_semaphore, #tpu.memory_space<semaphore_mem>>
        %dma_start3A_198 = tpu.memref_squeeze %dma_start3A_197 : memref<1x!tpu.dma_semaphore, #tpu.memory_space<semaphore_mem>> -> memref<!tpu.dma_semaphore, #tpu.memory_space<semaphore_mem>>
        tpu.enqueue_indirect_dma source(%dma_start3A_196 : memref<200x64xf32, #tpu.memory_space<vmem_shared>>) target(%dma_start3A_190 : memref<128x64xf32, #tpu.memory_space<vmem>>) offsets(%dma_start3A_193 : memref<128xi32, #tpu.memory_space<vmem>>) semaphore(%dma_start3A_198 : memref<!tpu.dma_semaphore, #tpu.memory_space<semaphore_mem>>) {add = true}
        %dma_start3A_199 = arith.constant 1 : i32
        %dma_start3A_200 = arith.constant 2 : i32
        %dma_start3A_201 = arith.constant 1 : i32
        %dma_start3A_202 = arith.constant 1 : i32
        %dma_start3A_203 = arith.constant 256 : i32
        %dma_start3A_204 = arith.constant 0 : i32
        %dma_start3A_205 = tpu.memref_slice %arg10[%dma_start3A_201, %dma_start3A_203, %dma_start3A_204] : memref<3x512x64xf32, #tpu.memory_space<vmem>> -> memref<1x128x64xf32, #tpu.memory_space<vmem>>
        %dma_start3A_206 = tpu.memref_squeeze %dma_start3A_205 : memref<1x128x64xf32, #tpu.memory_space<vmem>> -> memref<128x64xf32, #tpu.memory_space<vmem>>
        %dma_start3A_207 = arith.constant 0 : i32
        %dma_start3A_208 = tpu.memref_slice %arg8[%dma_start3A_199, %dma_start3A_200, %dma_start3A_207] : memref<3x4x128xi32, #tpu.memory_space<vmem>> -> memref<1x1x128xi32, #tpu.memory_space<vmem>>
        %dma_start3A_209 = tpu.memref_squeeze %dma_start3A_208 : memref<1x1x128xi32, #tpu.memory_space<vmem>> -> memref<128xi32, #tpu.memory_space<vmem>>
        %dma_start3A_210 = arith.constant 0 : i32
        %dma_start3A_211 = arith.constant 0 : i32
        %dma_start3A_212 = tpu.memref_slice %arg9[%dma_start3A_210, %dma_start3A_211] : memref<200x64xf32, #tpu.memory_space<vmem_shared>> -> memref<200x64xf32, #tpu.memory_space<vmem_shared>>
        %dma_start3A_213 = tpu.memref_slice %arg12[%dma_start3A_202] : memref<3x!tpu.dma_semaphore, #tpu.memory_space<semaphore_mem>> -> memref<1x!tpu.dma_semaphore, #tpu.memory_space<semaphore_mem>>
        %dma_start3A_214 = tpu.memref_squeeze %dma_start3A_213 : memref<1x!tpu.dma_semaphore, #tpu.memory_space<semaphore_mem>> -> memref<!tpu.dma_semaphore, #tpu.memory_space<semaphore_mem>>
        tpu.enqueue_indirect_dma source(%dma_start3A_212 : memref<200x64xf32, #tpu.memory_space<vmem_shared>>) target(%dma_start3A_206 : memref<128x64xf32, #tpu.memory_space<vmem>>) offsets(%dma_start3A_209 : memref<128xi32, #tpu.memory_space<vmem>>) semaphore(%dma_start3A_214 : memref<!tpu.dma_semaphore, #tpu.memory_space<semaphore_mem>>) {add = true}
        %dma_start3A_215 = arith.constant 1 : i32
        %dma_start3A_216 = arith.constant 3 : i32
        %dma_start3A_217 = arith.constant 1 : i32
        %dma_start3A_218 = arith.constant 1 : i32
        %dma_start3A_219 = arith.constant 384 : i32
        %dma_start3A_220 = arith.constant 0 : i32
        %dma_start3A_221 = tpu.memref_slice %arg10[%dma_start3A_217, %dma_start3A_219, %dma_start3A_220] : memref<3x512x64xf32, #tpu.memory_space<vmem>> -> memref<1x128x64xf32, #tpu.memory_space<vmem>>
        %dma_start3A_222 = tpu.memref_squeeze %dma_start3A_221 : memref<1x128x64xf32, #tpu.memory_space<vmem>> -> memref<128x64xf32, #tpu.memory_space<vmem>>
        %dma_start3A_223 = arith.constant 0 : i32
        %dma_start3A_224 = tpu.memref_slice %arg8[%dma_start3A_215, %dma_start3A_216, %dma_start3A_223] : memref<3x4x128xi32, #tpu.memory_space<vmem>> -> memref<1x1x128xi32, #tpu.memory_space<vmem>>
        %dma_start3A_225 = tpu.memref_squeeze %dma_start3A_224 : memref<1x1x128xi32, #tpu.memory_space<vmem>> -> memref<128xi32, #tpu.memory_space<vmem>>
        %dma_start3A_226 = arith.constant 0 : i32
        %dma_start3A_227 = arith.constant 0 : i32
        %dma_start3A_228 = tpu.memref_slice %arg9[%dma_start3A_226, %dma_start3A_227] : memref<200x64xf32, #tpu.memory_space<vmem_shared>> -> memref<200x64xf32, #tpu.memory_space<vmem_shared>>
        %dma_start3A_229 = tpu.memref_slice %arg12[%dma_start3A_218] : memref<3x!tpu.dma_semaphore, #tpu.memory_space<semaphore_mem>> -> memref<1x!tpu.dma_semaphore, #tpu.memory_space<semaphore_mem>>
        %dma_start3A_230 = tpu.memref_squeeze %dma_start3A_229 : memref<1x!tpu.dma_semaphore, #tpu.memory_space<semaphore_mem>> -> memref<!tpu.dma_semaphore, #tpu.memory_space<semaphore_mem>>
        tpu.enqueue_indirect_dma source(%dma_start3A_228 : memref<200x64xf32, #tpu.memory_space<vmem_shared>>) target(%dma_start3A_222 : memref<128x64xf32, #tpu.memory_space<vmem>>) offsets(%dma_start3A_225 : memref<128xi32, #tpu.memory_space<vmem>>) semaphore(%dma_start3A_230 : memref<!tpu.dma_semaphore, #tpu.memory_space<semaphore_mem>>) {add = true}
      } else {
      }
      %ge3A_140 = arith.constant 2 : i32
      %ge3A_141 = arith.cmpi sge, %add3A_116, %ge3A_140 : i32
      %sub3A_142 = arith.constant 2 : i32
      %sub3A_143 = arith.subi %add3A_116, %sub3A_142 : i32
      %lt3A_144 = arith.constant 50 : i32
      %lt3A_145 = arith.cmpi slt, %sub3A_143, %lt3A_144 : i32
      %and3A_146 = arith.andi %ge3A_141, %lt3A_145 : i1
      %convert_element_type3A_147 = arith.extui %and3A_146 : i1 to i32
      %cond3A_148 = arith.constant 0 : i32
      %cond3A_149 = arith.cmpi ne, %convert_element_type3A_147, %cond3A_148 : i32
      scf.if %cond3A_149 {
        %sub3A_150 = arith.constant 2 : i32
        %sub3A_151 = arith.subi %add3A_116, %sub3A_150 : i32
        %mul3A_152 = arith.constant 512 : i32
        %mul3A_153 = arith.muli %sub3A_151, %mul3A_152 : i32
        %add3A_154 = arith.addi %mul3A_2, %mul3A_153 : i32
        %dma_wait3A_155 = arith.constant 0 : i32
        %dma_wait3A_156 = arith.constant 0 : i32
        %dma_wait3A_157 = arith.constant 0 : i32
        %dma_wait3A_158 = arith.constant 0 : i32
        %dma_wait3A_159 = tpu.memref_slice %arg10[%dma_wait3A_155, %dma_wait3A_157, %dma_wait3A_158] : memref<3x512x64xf32, #tpu.memory_space<vmem>> -> memref<1x512x64xf32, #tpu.memory_space<vmem>>
        %dma_wait3A_160 = tpu.memref_squeeze %dma_wait3A_159 : memref<1x512x64xf32, #tpu.memory_space<vmem>> -> memref<512x64xf32, #tpu.memory_space<vmem>>
        %dma_wait3A_161 = arith.constant 0 : i32
        %dma_wait3A_162 = arith.constant 0 : i32
        %dma_wait3A_163 = tpu.memref_slice %arg4[%dma_wait3A_161, %dma_wait3A_162] : memref<1000000x64xf32, #tpu.memory_space<hbm>> -> memref<512x64xf32, #tpu.memory_space<hbm>>
        %dma_wait3A_164 = tpu.memref_slice %arg12[%dma_wait3A_156] : memref<3x!tpu.dma_semaphore, #tpu.memory_space<semaphore_mem>> -> memref<1x!tpu.dma_semaphore, #tpu.memory_space<semaphore_mem>>
        %dma_wait3A_165 = tpu.memref_squeeze %dma_wait3A_164 : memref<1x!tpu.dma_semaphore, #tpu.memory_space<semaphore_mem>> -> memref<!tpu.dma_semaphore, #tpu.memory_space<semaphore_mem>>
        %dma_wait3A_166 = arith.constant 0 : i32
        %dma_wait3A_167 = arith.constant 0 : i32
        %dma_wait3A_168 = tpu.memref_slice %arg10[%dma_wait3A_155, %dma_wait3A_166, %dma_wait3A_167] : memref<3x512x64xf32, #tpu.memory_space<vmem>> -> memref<1x512x64xf32, #tpu.memory_space<vmem>>
        %dma_wait3A_169 = tpu.memref_squeeze %dma_wait3A_168 : memref<1x512x64xf32, #tpu.memory_space<vmem>> -> memref<512x64xf32, #tpu.memory_space<vmem>>
        %dma_wait3A_170 = arith.constant 0 : i32
        %dma_wait3A_171 = arith.constant 0 : i32
        %dma_wait3A_172 = tpu.memref_slice %arg4[%dma_wait3A_170, %dma_wait3A_171] : memref<1000000x64xf32, #tpu.memory_space<hbm>> -> memref<512x64xf32, #tpu.memory_space<hbm>>
        tpu.wait_dma2 semaphore(%dma_wait3A_165 : memref<!tpu.dma_semaphore, #tpu.memory_space<semaphore_mem>>) src(%dma_wait3A_172 : memref<512x64xf32, #tpu.memory_space<hbm>>) dst(%dma_wait3A_169 : memref<512x64xf32, #tpu.memory_space<vmem>>)
        %dma_start3A = arith.constant 0 : i32
        %dma_start3A_173 = arith.constant 0 : i32
        %dma_start3A_174 = arith.constant 0 : i32
        %dma_start3A_175 = arith.constant 0 : i32
        %dma_start3A_176 = tpu.memref_slice %arg10[%dma_start3A, %dma_start3A_174, %dma_start3A_175] : memref<3x512x64xf32, #tpu.memory_space<vmem>> -> memref<1x512x64xf32, #tpu.memory_space<vmem>>
        %dma_start3A_177 = tpu.memref_squeeze %dma_start3A_176 : memref<1x512x64xf32, #tpu.memory_space<vmem>> -> memref<512x64xf32, #tpu.memory_space<vmem>>
        %dma_start3A_178 = arith.constant 0 : i32
        %dma_start3A_179 = tpu.memref_slice %arg6[%add3A_154, %dma_start3A_178] : memref<819200x64xf32, #tpu.memory_space<hbm>> -> memref<512x64xf32, #tpu.memory_space<hbm>>
        %dma_start3A_180 = tpu.memref_slice %arg13[%dma_start3A_173] : memref<3x!tpu.dma_semaphore, #tpu.memory_space<semaphore_mem>> -> memref<1x!tpu.dma_semaphore, #tpu.memory_space<semaphore_mem>>
        %dma_start3A_181 = tpu.memref_squeeze %dma_start3A_180 : memref<1x!tpu.dma_semaphore, #tpu.memory_space<semaphore_mem>> -> memref<!tpu.dma_semaphore, #tpu.memory_space<semaphore_mem>>
        %dma_start3A_182 = arith.constant 0 : i32
        %dma_start3A_183 = tpu.memref_slice %arg6[%add3A_154, %dma_start3A_182] : memref<819200x64xf32, #tpu.memory_space<hbm>> -> memref<512x64xf32, #tpu.memory_space<hbm>>
        %dma_start3A_184 = arith.constant 0 : i32
        %dma_start3A_185 = arith.constant 0 : i32
        %dma_start3A_186 = tpu.memref_slice %arg10[%dma_start3A, %dma_start3A_184, %dma_start3A_185] : memref<3x512x64xf32, #tpu.memory_space<vmem>> -> memref<1x512x64xf32, #tpu.memory_space<vmem>>
        %dma_start3A_187 = tpu.memref_squeeze %dma_start3A_186 : memref<1x512x64xf32, #tpu.memory_space<vmem>> -> memref<512x64xf32, #tpu.memory_space<vmem>>
        tpu.enqueue_dma source(%dma_start3A_187 : memref<512x64xf32, #tpu.memory_space<vmem>>) target(%dma_start3A_183 : memref<512x64xf32, #tpu.memory_space<hbm>>) target_semaphore(%dma_start3A_181 : memref<!tpu.dma_semaphore, #tpu.memory_space<semaphore_mem>>)
      } else {
      }
    }
    %scan3A_8 = arith.constant 18 : i32
    %add3A_9 = arith.constant 24064 : i32
    %add3A_10 = arith.addi %mul3A_2, %add3A_9 : i32
    %dma_wait3A = arith.constant 2 : i32
    %dma_wait3A_11 = tpu.memref_slice %arg13[%dma_wait3A] : memref<3x!tpu.dma_semaphore, #tpu.memory_space<semaphore_mem>> -> memref<1x!tpu.dma_semaphore, #tpu.memory_space<semaphore_mem>>
    %dma_wait3A_12 = tpu.memref_squeeze %dma_wait3A_11 : memref<1x!tpu.dma_semaphore, #tpu.memory_space<semaphore_mem>> -> memref<!tpu.dma_semaphore, #tpu.memory_space<semaphore_mem>>
    %dma_wait3A_13 = arith.constant 0 : i32
    %dma_wait3A_14 = tpu.memref_slice %arg6[%add3A_10, %dma_wait3A_13] : memref<819200x64xf32, #tpu.memory_space<hbm>> -> memref<512x64xf32, #tpu.memory_space<hbm>>
    %dma_wait3A_15 = arith.constant 0 : i32
    %dma_wait3A_16 = arith.constant 0 : i32
    %dma_wait3A_17 = tpu.memref_slice %arg4[%dma_wait3A_15, %dma_wait3A_16] : memref<1000000x64xf32, #tpu.memory_space<hbm>> -> memref<512x64xf32, #tpu.memory_space<hbm>>
    tpu.wait_dma2 semaphore(%dma_wait3A_12 : memref<!tpu.dma_semaphore, #tpu.memory_space<semaphore_mem>>) src(%dma_wait3A_17 : memref<512x64xf32, #tpu.memory_space<hbm>>) dst(%dma_wait3A_14 : memref<512x64xf32, #tpu.memory_space<hbm>>)
    %add3A_18 = arith.constant 24576 : i32
    %add3A_19 = arith.addi %mul3A_2, %add3A_18 : i32
    %dma_wait3A_20 = arith.constant 0 : i32
    %dma_wait3A_21 = tpu.memref_slice %arg13[%dma_wait3A_20] : memref<3x!tpu.dma_semaphore, #tpu.memory_space<semaphore_mem>> -> memref<1x!tpu.dma_semaphore, #tpu.memory_space<semaphore_mem>>
    %dma_wait3A_22 = tpu.memref_squeeze %dma_wait3A_21 : memref<1x!tpu.dma_semaphore, #tpu.memory_space<semaphore_mem>> -> memref<!tpu.dma_semaphore, #tpu.memory_space<semaphore_mem>>
    %dma_wait3A_23 = arith.constant 0 : i32
    %dma_wait3A_24 = tpu.memref_slice %arg6[%add3A_19, %dma_wait3A_23] : memref<819200x64xf32, #tpu.memory_space<hbm>> -> memref<512x64xf32, #tpu.memory_space<hbm>>
    %dma_wait3A_25 = arith.constant 0 : i32
    %dma_wait3A_26 = arith.constant 0 : i32
    %dma_wait3A_27 = tpu.memref_slice %arg4[%dma_wait3A_25, %dma_wait3A_26] : memref<1000000x64xf32, #tpu.memory_space<hbm>> -> memref<512x64xf32, #tpu.memory_space<hbm>>
    tpu.wait_dma2 semaphore(%dma_wait3A_22 : memref<!tpu.dma_semaphore, #tpu.memory_space<semaphore_mem>>) src(%dma_wait3A_27 : memref<512x64xf32, #tpu.memory_space<hbm>>) dst(%dma_wait3A_24 : memref<512x64xf32, #tpu.memory_space<hbm>>)
    %add3A_28 = arith.constant 25088 : i32
    %add3A_29 = arith.addi %mul3A_2, %add3A_28 : i32
    %dma_wait3A_30 = arith.constant 1 : i32
    %dma_wait3A_31 = tpu.memref_slice %arg13[%dma_wait3A_30] : memref<3x!tpu.dma_semaphore, #tpu.memory_space<semaphore_mem>> -> memref<1x!tpu.dma_semaphore, #tpu.memory_space<semaphore_mem>>
    %dma_wait3A_32 = tpu.memref_squeeze %dma_wait3A_31 : memref<1x!tpu.dma_semaphore, #tpu.memory_space<semaphore_mem>> -> memref<!tpu.dma_semaphore, #tpu.memory_space<semaphore_mem>>
    %dma_wait3A_33 = arith.constant 0 : i32
    %dma_wait3A_34 = tpu.memref_slice %arg6[%add3A_29, %dma_wait3A_33] : memref<819200x64xf32, #tpu.memory_space<hbm>> -> memref<512x64xf32, #tpu.memory_space<hbm>>
    %dma_wait3A_35 = arith.constant 0 : i32
    %dma_wait3A_36 = arith.constant 0 : i32
    %dma_wait3A_37 = tpu.memref_slice %arg4[%dma_wait3A_35, %dma_wait3A_36] : memref<1000000x64xf32, #tpu.memory_space<hbm>> -> memref<512x64xf32, #tpu.memory_space<hbm>>
    tpu.wait_dma2 semaphore(%dma_wait3A_32 : memref<!tpu.dma_semaphore, #tpu.memory_space<semaphore_mem>>) src(%dma_wait3A_37 : memref<512x64xf32, #tpu.memory_space<hbm>>) dst(%dma_wait3A_34 : memref<512x64xf32, #tpu.memory_space<hbm>>)
    return
  }
}

</mosaic_0001>

<sc_bundles>
// kernel: _emb.3.cloned.1.call-start
scs
__scs_entry_jumppad:
0x0: {  	(pc) =	sbr.rel $0x88, $3  }
0x1: {  	(tag) =	ssettag $0x0;
	lr =	simm.s32 $0x1  }
0x2: {  	[smem:$0x3F9D] =	sst lr;
	_ =	strace $0xD0000000  }
0x3: {  	_ = 	snop  }
0x4: {  	_ = 	snop  }
0x5: {  	_ = 	snop  }
0x6: {  	_ = 	snop  }
0x7: {  	_ = 	snop  }
__scs_overlays_trampoline_lowered:
0x8: {  	[smem:$0x3FAC] =	sst s0  }
0x9: {  	[smem:$0x3FAD] =	sst s1  }
0xa: {  	[smem:$0x3FAE] =	sst s2  }
0xb: {  	[smem:$0x3FAF] =	sst s3  }
0xc: {  	[smem:$0x3FB0] =	sst s4  }
0xd: {  	[smem:$0x3FB1] =	sst s5  }
0xe: {  	[smem:$0x3FB2] =	sst s6  }
0xf: {  	[smem:$0x3FB3] =	sst s7  }
0x10: {  	[smem:$0x3FB4] =	sst s8  }
0x11: {  	[smem:$0x3FB5] =	sst s9;
	s0 =	simm.s32 @!p0 $0x0  }
0x12: {  	s1 =	sld [smem:$0x3F9B];
	s0 =	simm.s32 @p0 $0x1  }
0x13: {  	[smem:$0x3FB6] =	sst s0;
	s0 =	simm.s32 @!p1 $0x0  }
0x14: {  	s2 =	sld [smem:$0x3F9A];
	s0 =	simm.s32 @p1 $0x1  }
0x15: {  	[smem:$0x3FB7] =	sst s0;
	s0 =	simm.s32 @!p2 $0x0  }
0x16: {  	s3 =	sld [smem:$0x3FDB];
	s0 =	simm.s32 @p2 $0x1  }
0x17: {  	s4 =	simm.s32 $0x1BF5;
	[smem:$0x3FB9] =	sst s0  }
0x18: {  	s0 =	sld [smem:$0x3F9C];
	_ =	swait.ge [sflag:s4], $0x0  }
0x19: {  	s7 =	sld [smem:$0x3F9D]  }
0x1a: {  	s8 =	sadd.s32 $0xFFFFE003, lr  }
0x1b: {  	s9 =	sadd.s32 $0xFFFFFEF7, lr;
	s5 =	simm.s32 $0xFFFFFFFF;
	p2 =	slt.u32 s8, $0xFFFFF086  }
0x1c: {  	p1 =	slt.u32 s9, $0xF7A;
	s5 =	simm.s32 @!p2 $0x0  }
0x1d: {  	s5 =	simm.s32 @p1 $0x1;
	p0 =	seq.s32 s7, s2  }
0x1e: {  	s7 =	smul.u32 @!p0 $0xF7A, s2;
	p2 =	seq.s32 @!p0 s5, $0x0  }
0x1f: {  	s9 =	smul.u32 $0xF7A, s1;
	s8 =	simm.s32 @!p0 $0x1BF5;
	p2 =	por !p2, p0  }
0x20: {  	[sflag:s8] =	ssyncset.s32 @!p0 $0xFFFFF086;
	s6 =	sadd.s32 @!p0 s3, s7;
	s7 =	simm.s32 @!p0 $0x108  }
0x21: {  	s3 =	sadd.s32 s3, s9;
	s6 =	sadd.s32 @!p0 $0x88, s6;
	s7 =	simm.s32 @p2 $0x1082  }
0x22: {  	[simem:s7], [sflag:s8] =	dma.local @!p0 [hbm:s6], $0xF7A  }
0x23: {  	s9 =	sor.u32 $0xD0000000, s2;
	s6 =	simm.s32 $0x108;
	_ =	swait.ge @!p0 [sflag:s8], $0x0  }
0x24: {  	s3 =	sadd.s32 $0x88, s3;
	s6 =	simm.s32 @!p1 $0x1082;
	[sflag:s4] =	ssyncset.s32 $0xFFFFF086  }
0x25: {  	[simem:s6], [sflag:s4] =	dma.local [hbm:s3], $0xF7A  }
0x26: {  	[smem:$0x3F9D] =	sst s1;
	(tag) =	ssettag s2;
	_ =	strace s9  }
0x27: {  	s1 =	sld [smem:$0x3FAD]  }
0x28: {  	s2 =	sld [smem:$0x3FAE]  }
0x29: {  	s4 =	sld [smem:$0x3FB0]  }
0x2a: {  	p0 =	seq.s32 s5, $0x0;
	s5 =	sld [smem:$0x3FB1]  }
0x2b: {  	s6 =	sld [smem:$0x3FB2]  }
0x2c: {  	s7 =	sld [smem:$0x3FB3]  }
0x2d: {  	s3 =	simm.s32 $0x108;
	s8 =	sld [smem:$0x3FB4]  }
0x2e: {  	s3 =	simm.s32 @!p0 $0x1082;
	s9 =	sld [smem:$0x3FB5]  }
0x2f: {  	lr =	sadd.s32 s0, s3;
	s0 =	sld [smem:$0x3FAC]  }
0x30: {  	s3 =	sld [smem:$0x3FAF]  }
0x31: {  	[smem:$0x3FB8] =	sst s10  }
0x32: {  	s10 =	sld [smem:$0x3FB6];
	_ =	sdelay $0x3  }
0x33: {  	p0 =	seq.s32 s10, $0x1;
	s10 =	sld [smem:$0x3FB8];
	_ =	sdelay $0x3  }
0x34: {  	[smem:$0x3FB8] =	sst s10  }
0x35: {  	s10 =	sld [smem:$0x3FB7];
	_ =	sdelay $0x3  }
0x36: {  	p1 =	seq.s32 s10, $0x1;
	s10 =	sld [smem:$0x3FB8];
	_ =	sdelay $0x3  }
0x37: {  	[smem:$0x3FB8] =	sst s10  }
0x38: {  	s10 =	sld [smem:$0x3FB9]  }
0x39: {  	_ = 	snop;
	(pc) =	sbr.ind lr, $3  }
0x3a: {  	_ = 	snop  }
0x3b: {  	_ = 	snop  }
0x3c: {  	p2 =	seq.s32 s10, $0x1;
	s10 =	sld [smem:$0x3FB8]  }
0x3d: {  	_ =	shalt  }
0x3e: {  	_ =	shalt  }
0x3f: {  	_ =	shalt  }
0x40: {  	_ =	shalt  }
0x41: {  	_ =	shalt  }
0x42: {  	_ =	shalt  }
0x43: {  	_ =	shalt  }
0x44: {  	_ =	shalt  }
0x45: {  	_ =	shalt  }
0x46: {  	_ =	shalt  }
0x47: {  	_ =	shalt  }
0x48: {  	_ =	shalt  }
0x49: {  	_ =	shalt  }
0x4a: {  	_ =	shalt  }
0x4b: {  	_ =	shalt  }
0x4c: {  	_ =	shalt  }
0x4d: {  	_ =	shalt  }
0x4e: {  	_ =	shalt  }
0x4f: {  	_ =	shalt  }
0x50: {  	_ =	shalt  }
0x51: {  	_ =	shalt  }
0x52: {  	_ =	shalt  }
0x53: {  	_ =	shalt  }
0x54: {  	_ =	shalt  }
0x55: {  	_ =	shalt  }
0x56: {  	_ =	shalt  }
0x57: {  	_ =	shalt  }
0x58: {  	_ =	shalt  }
0x59: {  	_ =	shalt  }
0x5a: {  	_ =	shalt  }
0x5b: {  	_ =	shalt  }
0x5c: {  	_ =	shalt  }
0x5d: {  	_ =	shalt  }
0x5e: {  	_ =	shalt  }
0x5f: {  	_ =	shalt  }
0x60: {  	_ =	shalt  }
0x61: {  	_ =	shalt  }
0x62: {  	_ =	shalt  }
0x63: {  	_ =	shalt  }
0x64: {  	_ =	shalt  }
0x65: {  	_ =	shalt  }
0x66: {  	_ =	shalt  }
0x67: {  	_ =	shalt  }
0x68: {  	_ =	shalt  }
0x69: {  	_ =	shalt  }
0x6a: {  	_ =	shalt  }
0x6b: {  	_ =	shalt  }
0x6c: {  	_ =	shalt  }
0x6d: {  	_ =	shalt  }
0x6e: {  	_ =	shalt  }
0x6f: {  	_ =	shalt  }
0x70: {  	_ =	shalt  }
0x71: {  	_ =	shalt  }
0x72: {  	_ =	shalt  }
0x73: {  	_ =	shalt  }
0x74: {  	_ =	shalt  }
0x75: {  	_ =	shalt  }
0x76: {  	_ =	shalt  }
0x77: {  	_ =	shalt  }
0x78: {  	_ =	shalt  }
0x79: {  	_ =	shalt  }
0x7a: {  	_ =	shalt  }
0x7b: {  	_ =	shalt  }
0x7c: {  	_ =	shalt  }
0x7d: {  	_ =	shalt  }
0x7e: {  	_ =	shalt  }
0x7f: {  	_ =	shalt  }
0x80: {  	_ =	shalt  }
0x81: {  	_ =	shalt  }
0x82: {  	_ =	shalt  }
0x83: {  	_ =	shalt  }
0x84: {  	_ =	shalt  }
0x85: {  	_ =	shalt  }
0x86: {  	_ =	shalt  }
0x87: {  	_ =	shalt  }
.Lfunc_end0:
.L_simem_size_0:
called_computation.1_lowered:
.L_overlay_start_0:
0x88: {  	s2 =	sld [smem:$0x3FD9]  }
0x89: {  	s3 =	sld [smem:$0x3FFE];
	_ =	sdelay $0x1  }
0x8a: {  	s1 =	srdreg.scid  }
0x8b: {  	s0 =	sand.u32 $0x1, s1  }
0x8c: {  	s17 =	sshll.u32 s0, $0xA;
	s2 =	sadd.s32 s3, s2  }
0x8d: {  	s2 =	sadd.s32 s2, s17  }
0x8e: {  	[smem:$0x3FC4] =	sst s2  }
0x8f: {  	_ = 	snop  }
0x90: {  	s2 =	sld [smem:$0x3FC9]  }
0x91: {  	s18 =	sld [smem:$0x3FC8]  }
0x92: {  	s4 =	sld [smem:$0x3FD0];
	(tm) =	ssettm $0x1  }
0x93: {  	s5 =	sld [smem:$0x3FFB];
	_ =	sdelay $0x3  }
0x94: {  	_ =	strace s5  }
0x95: {  	s5 =	sld [smem:$0x3FFC];
	_ =	sdelay $0x3  }
0x96: {  	_ =	strace s5  }
0x97: {  	s5 =	sld [smem:$0x3FFD];
	_ =	sdelay $0x3  }
0x98: {  	_ =	strace s5  }
0x99: {  	_ =	strace $0x8FFFFFFF  }
0x9a: {  	s19 =	sld [smem:$0x3FDB];
	_ =	sdelay $0x1  }
0x9b: {  	s6 =	simm.s32 $_scs_section_size  }
0x9c: {  	s7 =	simm.s32 $_size__tile_overlayer_lowered;
	s8 =	simm.s32 $_tile_overlayer_lowered  }
0x9d: {  	s22 =	simm.s32 $0x1BFF;
	s21 =	sshll.u32 s8, $0x1;
	s5 =	sadd.s32 s6, s19  }
0x9e: {  	s9 =	simm.s32 $0x0;
	s20 =	sshll.u32 s7, $0x1;
	s7 =	sadd.s32 s21, s5  }
0x9f: {  	[timem:s9], [sflag:s22] =	dma.local [hbm:s7], s20  }
0xa0: {  	_ =	swait.ge [sflag:s22], s20  }
0xa1: {  	s6 =	ssub.s32 $0x0, s20;
	[sflag:s22] =	ssyncset.done $0x0  }
0xa2: {  	[sflag:s22] =	ssyncadd.s32 s6;
	_ =	sdelay $0x1  }
0xa3: {  	s23 =	simm.s32 $0x1B8B  }
0xa4: {  	_ =	swait.ge [sflag:s23], $0x1  }
0xa5: {  	[sflag:s23] =	ssyncset.done $0x0  }
0xa6: {  	s25 =	simm.s32 $0x1B8E;
	s24 =	sld [smem:$0x3FFE];
	[sflag:s23] =	ssyncadd.s32 $0xFFFFFFFF  }
0xa7: {  	s26 =	simm.s32 $execute0_lowered;
	[smem:$0x3FD2] =	sst s25  }
0xa8: {  	s7 =	sshll.u32 s26, $0x1;
	_ =	strace $0x80000046;
	[dreg:$0x1] =	wrdreg $0xFFFFFFFF  }
0xa9: {  	s28 =	simm.s32 $_size_execute0_lowered;
	s5 =	sadd.s32 s5, s7;
	[dreg:$0x0] =	wrdreg $0x0  }
0xaa: {  	s7 =	sshll.u32 s28, $0x1;
	[dreg:$0x2] =	wrdreg s5  }
0xab: {  	[dreg:$0x3] =	wrdreg s7  }
0xac: {  	[dreg:$0x4] =	wrdreg $0xC0  }
0xad: {  	_ =	task [dreg:s9], $0x5FFFF  }
0xae: {  	[dreg:$0x1] =	wrdreg $0xFFFFFFFF  }
0xaf: {  	[dreg:$0x0] =	wrdreg $0x60  }
0xb0: {  	[dreg:$0x2] =	wrdreg s2  }
0xb1: {  	[dreg:$0x3] =	wrdreg s18  }
0xb2: {  	[dreg:$0x4] =	wrdreg s24  }
0xb3: {  	[dreg:$0x5] =	wrdreg s4  }
0xb4: {  	[dreg:$0x6] =	wrdreg $0xC000  }
0xb5: {  	[dreg:$0x7] =	wrdreg $0x9  }
0xb6: {  	_ =	task.clear_ibuf [dreg:s9], $0x8FFFF;
	_ =	strace $0x90000046  }
0xb7: {  	s29 =	simm.s32 $0x9;
	_ =	strace $0x80000048  }
0xb8: {  	_ =	swait.ge [sflag:s29], $0x1  }
0xb9: {  	[sflag:s29] =	ssyncadd.s32 $0xFFFFFFFF  }
0xba: {  	_ =	strace $0x90000048  }
0xbb: {  	_ =	sfence  }
0xbc: {  	s30 =	sld [smem:$0x0];
	_ =	sdelay $0x2  }
0xbd: {  	s31 =	sshll.u32 s1, $0xD;
	s1 =	sshrl.u32 s1, $0x2  }
0xbe: {  	s3 =	sand.u32 $0x4000, s31;
	s1 =	sadd.s32 s1, s30  }
0xbf: {  	s0 =	sor.u32 s3, s0;
	s1 =	sshll.u32 s1, $0x11  }
0xc0: {  	s0 =	sor.u32 s1, s0  }
0xc1: {  	s0 =	sadd.s32 $0x8F2B, s0  }
0xc2: {  	[sflag:s0] =	ssyncadd.remote.s32 $0x1  }
0xc3: {  	_ =	sfence.sel $0xFFFF  }
0xc4: {  	[dreg:$0x0] =	wrdreg $0xFFFFFFFF;
	(pc) =	sbr.abs _section_cstart, $3  }
0xc5: {  	[dreg:$0x1] =	wrdreg $0xFFFFFFFF  }
0xc6: {  	_ =	task.clear_ibuf [dreg:s9], $0x2FFFF;
	_ =	strace $0x9FFFFFFF  }
0xc7: {  	(tm) =	ssettm $0x7FFFFFFF  }
tec
execute0_lowered:
.L_overlay_start_1:
0x0: {  	(tag) =	ssettag $0x1  }
0x1: {  	s11 =	rddreg [dreg:$0x0]  }
0x2: {  	s12 =	rddreg [dreg:$0x1]  }
0x3: {  	s0 =	rddreg [dreg:$0x2]  }
0x4: {  	s13 =	rddreg [dreg:$0x3];
	s1 =	srdreg.scid  }
0x5: {  	s2 =	stileid.u32;
	s4 =	rddreg [dreg:$0x4];
	s5 =	simm.s32 $0x0  }
0x6: {  	s18 =	simm.s32 $0x5;
	s17 =	simm.s32 $0xAF20;
	s28 =	simm.s32 $0x980  }
0x7: {  	s29 =	simm.s32 $0xEF20;
	s30 =	simm.s32 $0x4;
	s31 =	simm.s32 $0xF20  }
0x8: {  	s1 =	sand.u32 $0x1, s1;
	s3 =	sshll.u32 s2, $0x1;
	[smem:$0x7FF] =	sst s5  }
0x9: {  	s8 =	smul.u32 $0xC800, s2;
	s6 =	sadd.s32 $0xF42E00, s0;
	s0 =	sadd.s32 $0xA00, s0  }
0xa: {  	s21 =	smul.u32 $0x64000, s2;
	p0 =	sne.s32 s2, $0x0;
	s3 =	sor.u32 s1, s3  }
0xb: {  	_ =	strace $0x80000047;
	s7 =	ssub.s32 $0x2, s1;
	s10 =	smul.u32 $0x6400, s1  }
0xc: {  	[dreg:$0x6] =	wrdreg s0;
	s3 =	smul.u32 $0x6400, s3;
	s9 =	sshrl.u32 s7, $0x1  }
0xd: {  	s1 =	smul.u32 $0x32000, s1;
	s23 =	sadd.s32 s21, s13;
	s19 =	ssub.s32 s7, s9  }
0xe: {  	s8 =	sadd.s32 s10, s8;
	s7 =	simm.s32 $0x2;
	s20 =	sadd.s32 $0x3FFFC00, s3  }
0xf: {  	s9 =	sor.u32 $0x200, s3;
	s3 =	sadd.s32 $0x3FFFE00, s3;
	s22 =	sadd.s32 $0x400, s8  }
0x10: {  	s0 =	smax.u32 s19, $0x1;
	s25 =	sshrl.u32 s8, $0x3;
	[dreg:$0x7] =	wrdreg s20  }
0x11: {  	s19 =	simm.s32 $0x8F20;
	s8 =	simm.s32 $0x0;
	[dreg:$0x8] =	wrdreg s3  }
0x12: {  	[dreg:$0x9] =	wrdreg s0;
	s3 =	sshrl.u32 s22, $0x3;
	s0 =	sadd.s32 s1, s23  }
0x13: {  	s15 =	sadd.s32 s25, s12;
	s16 =	sadd.s32 s25, s11;
	s20 =	simm.s32 $0x6  }
.Ltmp0:
0x14: {  	s23 =	simm.s32 $0xA;
	s25 =	simm.s32 $0x80;
	(pc) =	sbr.rel .LBB2_1-.Ltmp0, $4  }
0x15: {  	s1 =	simm.s32 $0x1;
	[dreg:$0xa] =	wrdreg s0;
	s24 =	sadd.s32 s3, s12  }
0x16: {  	s26 =	sadd.s32 s3, s11;
	s0 =	sshrl.u32 @!p0 s4, $0x3;
	[dreg:$0xb] =	wrdreg s24  }
0x17: {  	s11 =	simm.s32 $0x800;
	s3 =	simm.s32 $0x200;
	[dreg:$0xc] =	wrdreg s26  }
0x18: {  	[dreg:$0xd] =	wrdreg s0;
	s24 =	simm.s32 $0x10F20;
	s26 =	simm.s32 $0xCF20  }
.LBB2_12:
0x19: {  	s0 =	simm.s32 $0x9  }
0x1a: {  	_ =	swait.ge [sflag:s0], $0x1000  }
0x1b: {  	[sflag:s0] =	ssyncset.done $0x0  }
0x1c: {  	s21 =	simm.s32 $0x7;
	[sflag:s0] =	ssyncadd.s32 $0xFFFFF000  }
0x1d: {  	_ =	swait.ge [sflag:s21], $0x1000  }
0x1e: {  	[sflag:s21] =	ssyncset.done $0x0  }
0x1f: {  	s2 =	simm.s32 $0x8;
	[sflag:s21] =	ssyncadd.s32 $0xFFFFF000  }
0x20: {  	_ =	swait.ge [sflag:s2], $0x1000  }
0x21: {  	s8 =	rddreg [dreg:$0xe]  }
0x22: {  	s22 =	rddreg [dreg:$0x9];
	s8 =	sadd.s32 $0x1, s8  }
0x23: {  	p1 =	sne.s32 s8, s22  }
.Ltmp1:
0x24: {  	_ = 	snop;
	(pc) =	sbr.rel @!p1 .LBB2_13-.Ltmp1, $3  }
0x25: {  	_ =	sdelay $0x1  }
0x26: {  	[sflag:s2] =	ssyncset.done $0x0  }
0x27: {  	[sflag:s2] =	ssyncadd.s32 $0xFFFFF000  }
.LBB2_1:
0x28: {  	[dreg:$0xe] =	wrdreg s8  }
0x29: {  	s2 =	rddreg [dreg:$0x6]  }
0x2a: {  	s0 =	simm.s32 @!p0 $0x1C0A;
	s8 =	rddreg [dreg:$0xd]  }
0x2b: {  	[spmem:s8], [sflag:s0] =	dma.local @!p0 [hbm:s2], $0x640  }
0x2c: {  	s0 =	simm.s32 @!p0 $0xA  }
.Ltmp2:
0x2d: {  	_ =	swait.ge @!p0 [sflag:s0], $0x640;
	(pc) =	sbr.rel .LBB2_2-.Ltmp2, $4  }
0x2e: {  	[sflag:s0] =	ssyncset.done @!p0 $0x0  }
0x2f: {  	[sflag:s0] =	ssyncadd.s32 @!p0 $0xFFFFF9C0  }
0x30: {  	s21 =	simm.s32 $0x0;
	s13 =	simm.s32 $0x0;
	[bflag:$0x0] =	sbarrier.arrive $0xFFFF  }
0x31: {  	s2 =	simm.s32 $0xFFFFFFFD;
	s8 =	simm.s32 $0x0;
	s10 =	rddreg [dreg:$0xa]  }
.LBB2_9:
0x32: {  	s0 =	rddreg [dreg:$0xc]  }
0x33: {  	s12 =	simm.s32 $0x400;
	s0 =	sadd.s32 s8, s0  }
0x34: {  	[tilespmem:s12], [sflag:$0xA] =	stream.linear.gather [hbm4b:s0+s5], $0x200, $0x38;
	[tilespmem:$0x18F20] =	vst v63  }
0x35: {  	_ =	swait.ge [sflag:s23], $0x200  }
0x36: {  	[sflag:s23] =	ssyncset.done $0x0;
	s22 =	rddreg [dreg:$0xb]  }
0x37: {  	s14 =	simm.s32 $0xA00;
	[sflag:s23] =	ssyncadd.s32 $0xFFFFFE00;
	s0 =	sadd.s32 s8, s22  }
0x38: {  	[tilespmem:s14], [sflag:$0xA] =	stream.linear.gather [hbm4b:s0+s5], $0x200, $0x38;
	[tilespmem:$0x18F20] =	vst v63  }
0x39: {  	_ =	swait.ge [sflag:s23], $0x200  }
0x3a: {  	[sflag:s23] =	ssyncset.done $0x0  }
0x3b: {  	[sflag:s23] =	ssyncadd.s32 $0xFFFFFE00  }
0x3c: {  	[tilespmem:s24], [sflag:$0x3] =	stream.indirect.gather [hbm4b:s6+s25], $0x40, s12, s25, $0xb8;
	[tilespmem:$0x18F20] =	vst v63  }
0x3d: {  	s22 =	simm.s32 $0x12F20;
	s14 =	simm.s32 $0x480  }
0x3e: {  	[tilespmem:s22], [sflag:$0x3] =	stream.indirect.gather [hbm4b:s6+s25], $0x40, s14, s25, $0xb8;
	[tilespmem:$0x18F20] =	vst v63  }
0x3f: {  	s14 =	simm.s32 $0x500;
	s22 =	simm.s32 $0x14F20  }
0x40: {  	[tilespmem:s22], [sflag:$0x3] =	stream.indirect.gather [hbm4b:s6+s25], $0x40, s14, s25, $0xb8;
	[tilespmem:$0x18F20] =	vst v63  }
0x41: {  	s14 =	simm.s32 $0x580;
	s22 =	simm.s32 $0x16F20  }
0x42: {  	[tilespmem:s22], [sflag:$0x3] =	stream.indirect.gather [hbm4b:s6+s25], $0x40, s14, s25, $0xb8;
	[tilespmem:$0x18F20] =	vst v63  }
.LBB2_11:
0x43: {  	_ =	swait.ge [sflag:s7], $0x8000  }
0x44: {  	[sflag:s7] =	ssyncset.done $0x0  }
0x45: {  	[sflag:s7] =	ssyncadd.s32 $0xFFFF8000  }
0x46: {  	[tilespmem:s19], [sflag:$0x5] =	stream.indirect.gather.add.f32 [spmem:s4], $0x40, s11, s25, $0xb8;
	[tilespmem:$0x18F20] =	vst v63  }
0x47: {  	s0 =	simm.s32 $0x880  }
0x48: {  	[tilespmem:s17], [sflag:$0x5] =	stream.indirect.gather.add.f32 [spmem:s4], $0x40, s0, s25, $0xb8;
	[tilespmem:$0x18F20] =	vst v63  }
0x49: {  	s22 =	simm.s32 $0x900;
	s8 =	sadd.s32 $0xC0, s8  }
0x4a: {  	[tilespmem:s26], [sflag:$0x5] =	stream.indirect.gather.add.f32 [spmem:s4], $0x40, s22, s25, $0xb8;
	[tilespmem:$0x18F20] =	vst v63  }
0x4b: {  	p1 =	sne.s32 s8, $0xD80  }
0x4c: {  	[tilespmem:s29], [sflag:$0x5] =	stream.indirect.gather.add.f32 [spmem:s4], $0x40, s28, s25, $0xb8;
	[tilespmem:$0x18F20] =	vst v63  }
.Ltmp3:
0x4d: {  	_ =	swait.ge [sflag:s30], $0x8000;
	(pc) =	sbr.rel @!p1 .LBB2_12-.Ltmp3, $4  }
0x4e: {  	[sflag:s30] =	ssyncset.done $0x0  }
0x4f: {  	s13 =	sadd.s32 $0x1, s13;
	[sflag:s30] =	ssyncadd.s32 $0xFFFF8000  }
0x50: {  	[hbm4b:s10+s5] =	stream.linear.scatter [tilespmem:s31], [sflag:$0x7], $0x8000, $0x38;
	[tilespmem:$0x18F20] =	vst v63  }
0x51: {  	s21 =	sadd.s32 $0x600, s21;
	s2 =	sadd.s32 $0x3, s2;
	s10 =	sadd.s32 $0x3000, s10  }
.LBB2_2:
0x52: {  	p2 =	sgt.u32 s2, $0x2E  }
0x53: {  	s0 =	simm.s32 @!p2 $0x7  }
0x54: {  	_ =	swait.ge @!p2 [sflag:s0], $0x1000  }
0x55: {  	p1 =	seq.s32 s8, $0xCC0;
	[sflag:s0] =	ssyncset.done @!p2 $0x0  }
0x56: {  	s14 =	simm.s32 @!p1 $0x0;
	[sflag:s0] =	ssyncadd.s32 @!p2 $0xFFFFF000;
	s0 =	sadd.s32 @!p1 s8, s16  }
0x57: {  	[tilespmem:s14], [sflag:$0xA] =	stream.linear.gather @!p1 [hbm4b:s0+s14], $0x200, $0x38;
	[tilespmem:$0x18F20] =	vst v63  }
0x58: {  	s0 =	simm.s32 @!p1 $0xA  }
0x59: {  	_ =	swait.ge @!p1 [sflag:s0], $0x200  }
0x5a: {  	[sflag:s0] =	ssyncset.done @!p1 $0x0  }
0x5b: {  	s22 =	sadd.s32 @!p1 s8, s15;
	s12 =	simm.s32 @!p1 $0x600;
	[sflag:s0] =	ssyncadd.s32 @!p1 $0xFFFFFE00  }
0x5c: {  	[tilespmem:s12], [sflag:$0xA] =	stream.linear.gather @!p1 [hbm4b:s22+s14], $0x200, $0x38;
	[tilespmem:$0x18F20] =	vst v63  }
0x5d: {  	_ =	swait.ge @!p1 [sflag:s0], $0x200  }
0x5e: {  	[sflag:s0] =	ssyncset.done @!p1 $0x0  }
0x5f: {  	s12 =	simm.s32 @!p1 $0xF20;
	[sflag:s0] =	ssyncadd.s32 @!p1 $0xFFFFFE00;
	s0 =	simm.s32 @!p1 $0x80  }
0x60: {  	[tilespmem:s12], [sflag:$0x1] =	stream.indirect.gather @!p1 [hbm4b:s6+s0], $0x40, s14, s0, $0xb8;
	[tilespmem:$0x18F20] =	vst v63  }
0x61: {  	s12 =	simm.s32 @!p1 $0x2F20  }
0x62: {  	[tilespmem:s12], [sflag:$0x1] =	stream.indirect.gather @!p1 [hbm4b:s6+s0], $0x40, s0, s0, $0xb8;
	[tilespmem:$0x18F20] =	vst v63  }
0x63: {  	s14 =	simm.s32 @!p1 $0x4F20;
	s12 =	simm.s32 @!p1 $0x100  }
0x64: {  	[tilespmem:s14], [sflag:$0x1] =	stream.indirect.gather @!p1 [hbm4b:s6+s0], $0x40, s12, s0, $0xb8;
	[tilespmem:$0x18F20] =	vst v63  }
0x65: {  	s12 =	simm.s32 @!p1 $0x180;
	s14 =	simm.s32 @!p1 $0x6F20  }
0x66: {  	[tilespmem:s14], [sflag:$0x1] =	stream.indirect.gather @!p1 [hbm4b:s6+s0], $0x40, s12, s0, $0xb8;
	[tilespmem:$0x18F20] =	vst v63  }
0x67: {  	s14 =	sadd.s32 @!p1 $0x2, s2  }
0x68: {  	p2 =	sgt.u32 @!p1 s14, $0x31  }
0x69: {  	p2 =	por p2, p1  }
0x6a: {  	s0 =	simm.s32 @!p2 $0x3  }
0x6b: {  	_ =	swait.ge @!p2 [sflag:s0], $0x8000  }
0x6c: {  	s12 =	simm.s32 @!p2 $0xA00;
	[sflag:s0] =	ssyncset.done @!p2 $0x0  }
0x6d: {  	s22 =	simm.s32 @!p2 $0x10F20;
	[sflag:s0] =	ssyncadd.s32 @!p2 $0xFFFF8000;
	s0 =	simm.s32 @!p2 $0x80  }
0x6e: {  	[tilespmem:s22], [sflag:$0x6] =	stream.indirect.gather.add.f32 @!p2 [spmem:s4], $0x40, s12, s0, $0xb8;
	[tilespmem:$0x18F20] =	vst v63  }
0x6f: {  	s12 =	simm.s32 @!p2 $0xA80;
	s22 =	simm.s32 @!p2 $0x12F20  }
0x70: {  	[tilespmem:s22], [sflag:$0x6] =	stream.indirect.gather.add.f32 @!p2 [spmem:s4], $0x40, s12, s0, $0xb8;
	[tilespmem:$0x18F20] =	vst v63  }
0x71: {  	s12 =	simm.s32 @!p2 $0xB00;
	s22 =	simm.s32 @!p2 $0x14F20  }
0x72: {  	[tilespmem:s22], [sflag:$0x6] =	stream.indirect.gather.add.f32 @!p2 [spmem:s4], $0x40, s12, s0, $0xb8;
	[tilespmem:$0x18F20] =	vst v63  }
0x73: {  	s12 =	simm.s32 @!p2 $0xB80;
	s22 =	simm.s32 @!p2 $0x16F20  }
0x74: {  	[tilespmem:s22], [sflag:$0x6] =	stream.indirect.gather.add.f32 @!p2 [spmem:s4], $0x40, s12, s0, $0xb8;
	[tilespmem:$0x18F20] =	vst v63  }
0x75: {  	s22 =	sadd.s32 @!p1 $0x1, s2  }
0x76: {  	p2 =	sgt.u32 @!p1 s22, $0x31  }
0x77: {  	p2 =	por p1, !p2  }
.Ltmp4:
0x78: {  	_ = 	snop;
	(pc) =	sbr.rel @!p2 .LBB2_3-.Ltmp4, $2  }
0x79: {  	_ =	sdelay $0x2  }
0x7a: {  	p3 =	slt.u32 @!p1 s14, $0x32;
	s0 =	smov.u32 s21  }
0x7b: {  	s0 =	simm.s32 @p1 $0x6600;
	s12 =	rddreg [dreg:$0x7];
	_ =	swait.ge [sflag:s18], $0x8000  }
0x7c: {  	s12 =	sadd.s32 s0, s12;
	[sflag:s18] =	ssyncset.done $0x0  }
0x7d: {  	s12 =	sshll.u32 s12, $0x3;
	[sflag:s18] =	ssyncadd.s32 $0xFFFF8000  }
0x7e: {  	s12 =	sand.u32 $0x1FFFF000, s12;
	s24 =	rddreg [dreg:$0x3]  }
0x7f: {  	s22 =	simm.s32 @p1 $0x31;
	s12 =	sadd.s32 s24, s12  }
0x80: {  	[hbm4b:s12+s5] =	stream.linear.scatter [tilespmem:s19], [sflag:$0x8], $0x8000, $0x38;
	[tilespmem:$0x18F20] =	vst v63  }
.Ltmp5:
0x81: {  	p4 =	sgt.u32 s22, $0x2E;
	(pc) =	sbr.rel @!p1 .LBB2_5-.Ltmp5, $4  }
0x82: {  	s12 =	simm.s32 @!p4 $0x8  }
0x83: {  	_ =	swait.ge @!p4 [sflag:s12], $0x1000  }
0x84: {  	p2 =	por $0x0, $0x0;
	s14 =	simm.s32 @p1 $0x32;
	[sflag:s12] =	ssyncset.done @!p4 $0x0  }
0x85: {  	p2 =	por @!p1 p3, p3;
	s24 =	simm.s32 $0x10F20;
	[sflag:s12] =	ssyncadd.s32 @!p4 $0xFFFFF000  }
.Ltmp6:
0x86: {  	(pc) =	sbr.rel @!p2 .LBB2_8-.Ltmp6, $4  }
.Ltmp7:
0x87: {  	(pc) =	sbr.rel @p2 .LBB2_7-.Ltmp7, $4  }
0x88: {  	_ = 	snop  }
0x89: {  	_ = 	snop  }
0x8a: {  	_ = 	snop  }
0x8b: {  	_ = 	snop  }
.LBB2_3:
0x8c: {  	p2 =	por p3, p3  }
.LBB2_5:
0x8d: {  	s12 =	sadd.s32 s0, s9  }
0x8e: {  	s22 =	rddreg [dreg:$0x0];
	s12 =	sshrl.u32 s12, $0x3  }
0x8f: {  	s22 =	sadd.s32 s22, s12  }
0x90: {  	[tilespmem:s3], [sflag:$0xA] =	stream.linear.gather [hbm4b:s22+s5], $0x200, $0x38;
	[tilespmem:$0x18F20] =	vst v63  }
0x91: {  	_ =	swait.ge [sflag:s23], $0x200  }
0x92: {  	[sflag:s23] =	ssyncset.done $0x0  }
0x93: {  	[sflag:s23] =	ssyncadd.s32 $0xFFFFFE00  }
0x94: {  	s22 =	rddreg [dreg:$0x1]  }
0x95: {  	s12 =	sadd.s32 s22, s12  }
0x96: {  	[tilespmem:s11], [sflag:$0xA] =	stream.linear.gather [hbm4b:s12+s5], $0x200, $0x38;
	[tilespmem:$0x18F20] =	vst v63  }
0x97: {  	_ =	swait.ge [sflag:s23], $0x200  }
0x98: {  	[sflag:s23] =	ssyncset.done $0x0  }
0x99: {  	[sflag:s23] =	ssyncadd.s32 $0xFFFFFE00  }
0x9a: {  	[tilespmem:s19], [sflag:$0x2] =	stream.indirect.gather [hbm4b:s6+s25], $0x40, s3, s25, $0xb8;
	[tilespmem:$0x18F20] =	vst v63  }
0x9b: {  	s22 =	simm.s32 $0x280  }
0x9c: {  	[tilespmem:s17], [sflag:$0x2] =	stream.indirect.gather [hbm4b:s6+s25], $0x40, s22, s25, $0xb8;
	[tilespmem:$0x18F20] =	vst v63  }
0x9d: {  	s22 =	simm.s32 $0x300  }
0x9e: {  	[tilespmem:s26], [sflag:$0x2] =	stream.indirect.gather [hbm4b:s6+s25], $0x40, s22, s25, $0xb8;
	[tilespmem:$0x18F20] =	vst v63  }
0x9f: {  	s22 =	simm.s32 $0x380  }
0xa0: {  	[tilespmem:s29], [sflag:$0x2] =	stream.indirect.gather [hbm4b:s6+s25], $0x40, s22, s25, $0xb8;
	[tilespmem:$0x18F20] =	vst v63  }
0xa1: {  	_ =	swait.ge [sflag:s1], $0x8000  }
0xa2: {  	[sflag:s1] =	ssyncset.done $0x0  }
0xa3: {  	s22 =	simm.s32 $0x600;
	[sflag:s1] =	ssyncadd.s32 $0xFFFF8000  }
0xa4: {  	[tilespmem:s31], [sflag:$0x4] =	stream.indirect.gather.add.f32 [spmem:s4], $0x40, s22, s25, $0xb8;
	[tilespmem:$0x18F20] =	vst v63  }
0xa5: {  	s12 =	simm.s32 $0x680;
	s22 =	simm.s32 $0x2F20  }
0xa6: {  	[tilespmem:s22], [sflag:$0x4] =	stream.indirect.gather.add.f32 [spmem:s4], $0x40, s12, s25, $0xb8;
	[tilespmem:$0x18F20] =	vst v63  }
.Ltmp8:
0xa7: {  	_ = 	snop;
	(pc) =	sbr.rel @!p2 .LBB2_8-.Ltmp8, $4  }
0xa8: {  	s12 =	simm.s32 $0x700;
	s22 =	simm.s32 $0x4F20  }
0xa9: {  	[tilespmem:s22], [sflag:$0x4] =	stream.indirect.gather.add.f32 [spmem:s4], $0x40, s12, s25, $0xb8;
	[tilespmem:$0x18F20] =	vst v63  }
0xaa: {  	s12 =	simm.s32 $0x780;
	s22 =	simm.s32 $0x6F20  }
0xab: {  	[tilespmem:s22], [sflag:$0x4] =	stream.indirect.gather.add.f32 [spmem:s4], $0x40, s12, s25, $0xb8;
	[tilespmem:$0x18F20] =	vst v63  }
.LBB2_7:
0xac: {  	s12 =	rddreg [dreg:$0x8];
	_ =	swait.ge [sflag:s20], $0x8000  }
0xad: {  	s0 =	sadd.s32 s0, s12;
	[sflag:s20] =	ssyncset.done $0x0  }
0xae: {  	s0 =	sshll.u32 s0, $0x3;
	[sflag:s20] =	ssyncadd.s32 $0xFFFF8000  }
0xaf: {  	s0 =	sand.u32 $0x1FFFF000, s0;
	s22 =	rddreg [dreg:$0x3]  }
0xb0: {  	s0 =	sadd.s32 s22, s0  }
0xb1: {  	[hbm4b:s0+s5] =	stream.linear.scatter [tilespmem:s24], [sflag:$0x9], $0x8000, $0x38;
	[tilespmem:$0x18F20] =	vst v63  }
.LBB2_8:
0xb2: {  	p3 =	sgt.u32 s13, $0xF  }
.Ltmp9:
0xb3: {  	p2 =	sgt.u32 s14, $0x2E;
	(pc) =	sbr.rel @!p3 .LBB2_9-.Ltmp9, $4  }
0xb4: {  	s0 =	simm.s32 @!p2 $0x9  }
0xb5: {  	_ =	swait.ge @!p2 [sflag:s0], $0x1000  }
0xb6: {  	[sflag:s0] =	ssyncset.done @!p2 $0x0  }
0xb7: {  	[sflag:s0] =	ssyncadd.s32 @!p2 $0xFFFFF000  }
.Ltmp10:
0xb8: {  	(pc) =	sbr.rel @!p1 .LBB2_11-.Ltmp10, $4  }
.Ltmp11:
0xb9: {  	(pc) =	sbr.rel @p1 .LBB2_12-.Ltmp11, $4  }
0xba: {  	_ = 	snop  }
0xbb: {  	_ = 	snop  }
0xbc: {  	_ = 	snop  }
0xbd: {  	_ = 	snop  }
.LBB2_13:
0xbe: {  	_ =	sfence.sel $0x180000  }
0xbf: {  	[bflag:$0x0] =	sbarrier.arrive $0xFFFF  }
0xc0: {  	_ =	strace $0x90000047  }
0xc1: {  	[bflag:$0x2] =	sbarrier.arrive $0xFFFF  }
0xc2: {  	s0 =	rddreg [dreg:$0x5]  }
0xc3: {  	s0 =	sadd.s32 @!p0 $0x100000, s0  }
0xc4: {  	[sflag:s0] =	ssyncadd.tile.s32 @!p0 $0x1;
	_ =	shalt  }
.Lfunc_end2:
_tile_overlayer_lowered:
.L_overlay_start_2:
0xc5: {  	(tag) =	ssettag $0x2  }
0xc6: {  	s0 =	rddreg [dreg:$0x0];
	s2 =	stileid.u32  }
0xc7: {  	s1 =	rddreg [dreg:$0x1];
	p0 =	sne.s32 s2, $0x0  }
0xc8: {  	s3 =	rddreg [dreg:$0x2];
	[bflag:$0x3] =	sbarrier.arrive $0xFFFF;
	s2 =	simm.s32 @!p0 $0x1C0A  }
0xc9: {  	[timem:s3], [sflag:s2] =	dma.local @!p0 [hbm:s0], s1  }
0xca: {  	s0 =	simm.s32 @!p0 $0xA  }
0xcb: {  	_ =	swait.ge @!p0 [sflag:s0], s1  }
0xcc: {  	s1 =	ssub.s32 @!p0 $0x0, s1;
	[sflag:s0] =	ssyncset.done @!p0 $0x0  }
0xcd: {  	[sflag:s0] =	ssyncadd.s32 @!p0 s1  }
0xce: {  	[bflag:$0x3] =	sbarrier.arrive $0xFFFF  }
0xcf: {  	_ =	shalt  }

// kernel: sparse-core-data-format-call.cloned.1.call-start
scs
called_computation_lowered:
.L_overlay_start_0:
0x0: {  	s2 =	sld [smem:$0x3FD9]  }
0x1: {  	s3 =	sld [smem:$0x3FFE];
	_ =	sdelay $0x1  }
0x2: {  	s1 =	srdreg.scid  }
0x3: {  	s0 =	sand.u32 $0x1, s1  }
0x4: {  	s18 =	sshll.u32 s0, $0xA;
	s2 =	sadd.s32 s3, s2  }
0x5: {  	s2 =	sadd.s32 s2, s18  }
0x6: {  	[smem:$0x3FC4] =	sst s2  }
0x7: {  	_ = 	snop  }
0x8: {  	s2 =	sld [smem:$0x3FD0];
	(tm) =	ssettm $0x1  }
0x9: {  	s19 =	sld [smem:$0x3FFB];
	_ =	sdelay $0x3  }
0xa: {  	_ =	strace s19  }
0xb: {  	s3 =	sld [smem:$0x3FFC];
	_ =	sdelay $0x3  }
0xc: {  	_ =	strace s3  }
0xd: {  	s3 =	sld [smem:$0x3FFD];
	_ =	sdelay $0x3  }
0xe: {  	_ =	strace s3  }
0xf: {  	_ =	strace $0x8FFFFFFF  }
0x10: {  	s20 =	sld [smem:$0x3FDB];
	_ =	sdelay $0x1  }
0x11: {  	s4 =	simm.s32 $_scs_section_size  }
0x12: {  	s5 =	simm.s32 $_size__tile_overlayer_lowered;
	s6 =	simm.s32 $_tile_overlayer_lowered  }
0x13: {  	s23 =	simm.s32 $0x1BFF;
	s22 =	sshll.u32 s6, $0x1;
	s3 =	sadd.s32 s4, s20  }
0x14: {  	s7 =	simm.s32 $0x0;
	s21 =	sshll.u32 s5, $0x1;
	s5 =	sadd.s32 s22, s3  }
0x15: {  	[timem:s7], [sflag:s23] =	dma.local [hbm:s5], s21  }
0x16: {  	_ =	swait.ge [sflag:s23], s21  }
0x17: {  	s4 =	ssub.s32 $0x0, s21;
	[sflag:s23] =	ssyncset.done $0x0  }
0x18: {  	[sflag:s23] =	ssyncadd.s32 s4;
	_ =	sdelay $0x1  }
0x19: {  	s24 =	simm.s32 $0x1B8B  }
0x1a: {  	_ =	swait.ge [sflag:s24], $0x1  }
0x1b: {  	[sflag:s24] =	ssyncset.done $0x0  }
0x1c: {  	s26 =	simm.s32 $0x1B8E;
	s25 =	sld [smem:$0x3FFE];
	[sflag:s24] =	ssyncadd.s32 $0xFFFFFFFF  }
0x1d: {  	s27 =	simm.s32 $execute0_lowered;
	[smem:$0x3FD2] =	sst s26  }
0x1e: {  	s5 =	sshll.u32 s27, $0x1;
	_ =	strace $0x80000049;
	[dreg:$0x1] =	wrdreg $0xFFFFFFFF  }
0x1f: {  	s28 =	simm.s32 $_size_execute0_lowered;
	s3 =	sadd.s32 s3, s5;
	[dreg:$0x0] =	wrdreg $0x0  }
0x20: {  	s5 =	sshll.u32 s28, $0x1;
	[dreg:$0x2] =	wrdreg s3  }
0x21: {  	[dreg:$0x3] =	wrdreg s5  }
0x22: {  	[dreg:$0x4] =	wrdreg $0xC0  }
0x23: {  	_ =	task [dreg:s7], $0x5FFFF  }
0x24: {  	[dreg:$0x1] =	wrdreg $0xFFFFFFFF  }
0x25: {  	[dreg:$0x0] =	wrdreg $0x60  }
0x26: {  	[dreg:$0x2] =	wrdreg s25  }
0x27: {  	[dreg:$0x3] =	wrdreg s2  }
0x28: {  	[dreg:$0x4] =	wrdreg $0x9  }
0x29: {  	_ =	task.clear_ibuf [dreg:s7], $0x5FFFF;
	_ =	strace $0x90000049  }
0x2a: {  	s29 =	simm.s32 $0x9;
	_ =	strace $0x8000004B  }
0x2b: {  	_ =	swait.ge [sflag:s29], $0x1  }
0x2c: {  	[sflag:s29] =	ssyncadd.s32 $0xFFFFFFFF  }
0x2d: {  	_ =	strace $0x9000004B  }
0x2e: {  	_ =	sfence  }
0x2f: {  	s30 =	sld [smem:$0x0];
	_ =	sdelay $0x2  }
0x30: {  	s31 =	sshll.u32 s1, $0xD;
	s1 =	sshrl.u32 s1, $0x2  }
0x31: {  	s3 =	sand.u32 $0x4000, s31;
	s1 =	sadd.s32 s1, s30  }
0x32: {  	s0 =	sor.u32 s3, s0;
	s1 =	sshll.u32 s1, $0x11  }
0x33: {  	s0 =	sor.u32 s1, s0  }
0x34: {  	s0 =	sadd.s32 $0x8F2B, s0  }
0x35: {  	[sflag:s0] =	ssyncadd.remote.s32 $0x1  }
0x36: {  	_ =	sfence.sel $0xFFFF  }
0x37: {  	[dreg:$0x0] =	wrdreg $0xFFFFFFFF;
	(pc) =	sbr.abs _section_cstart, $3  }
0x38: {  	[dreg:$0x1] =	wrdreg $0xFFFFFFFF  }
0x39: {  	_ =	task.clear_ibuf [dreg:s7], $0x2FFFF;
	_ =	strace $0x9FFFFFFF  }
0x3a: {  	(tm) =	ssettm $0x7FFFFFFF  }
0x3b: {  	_ =	shalt  }
tec
execute0_lowered:
.L_overlay_start_1:
0x0: {  	(tag) =	ssettag $0x1  }
0x1: {  	s0 =	srdreg.scid  }
0x2: {  	s1 =	sshll.u32 s0, $0x4  }
0x3: {  	s4 =	rddreg [dreg:$0x0];
	s0 =	stileid.u32;
	s1 =	sand.u32 $0x10, s1  }
0x4: {  	s2 =	rddreg [dreg:$0x1];
	s7 =	simm.s32 $0x1;
	s1 =	sor.u32 s0, s1  }
0x5: {  	s8 =	simm.s32 $0x2;
	s11 =	simm.s32 $0x0;
	s3 =	sshll.u32 s1, $0x7  }
0x6: {  	s10 =	simm.s32 $0x0;
	s4 =	sadd.s32 $0xA00, s4;
	s6 =	ssub.s32 $0xC8000, s3  }
.Ltmp0:
0x7: {  	s1 =	rddreg [dreg:$0x2];
	s5 =	sand.u32 $0xF80, s6;
	(pc) =	sbr.rel .LBB1_1-.Ltmp0, $4  }
0x8: {  	_ =	strace $0x8000004A;
	s9 =	smov.u32 s3;
	p0 =	sne.s32 s5, $0x0  }
0x9: {  	s6 =	sshrl.u32 s6, $0xC;
	s5 =	simm.s32 $0x1;
	s7 =	simm.s32 @!p0 $0x0  }
0xa: {  	[sflag:s5] =	ssyncpa.u1 $0x0;
	p0 =	por $0x0, $0x0;
	s6 =	sadd.s32 s7, s6  }
0xb: {  	[sflag:s8] =	ssyncpa.u1 $0x0;
	s8 =	simm.s32 $0x640000;
	s7 =	sadd.s32 $0x1, s6  }
.LBB1_4:
0xc: {  	s14 =	sshll.u32 s11, $0x3  }
0xd: {  	s30 =	sand.u32 $0x7F, s11;
	s15 =	sand.u32 $0xFFFFFC00, s14  }
0xe: {  	s11 =	sor.u32 s30, s15  }
0xf: {  	s15 =	smulhi.u32 $0x51EB851F, s11  }
0x10: {  	s14 =	smulhi.u32 $0x51EB851F, s14  }
0x11: {  	s15 =	sshrl.u32 s15, $0x12  }
0x12: {  	s14 =	sshrl.u32 s14, $0x12;
	s15 =	smul.u32 $0xC8000, s15  }
0x13: {  	s14 =	sand.u32 $0x3F, s14  }
0x14: {  	s14 =	smul.u32 $0x19000, s14;
	s11 =	ssub.s32 s11, s15  }
0x15: {  	[tilespmem:s13+$0x810 ss:$0x81] =	vst.msk $0xffff, v2;
	s15 =	sand.u32 $0x7, s11  }
0x16: {  	[tilespmem:s13+$0x1020 ss:$0x81] =	vst.msk $0xffff, v0;
	s14 =	sadd.s32 s2, s14;
	s11 =	sshrl.u32 s11, $0x3;
	s15 =	sshll.u32 s15, $0x12  }
0x17: {  	[tilespmem:s13+$0x0 ss:$0x81] =	vst.msk $0xffff, v1;
	s11 =	sadd.s32 s11, s14;
	s31 =	sor.u32 $0x400, s15  }
0x18: {  	[hbm4b:s11+s31] =	stream.strided.scatter [tilespmem:s12], [sflag:$0x2], $0x2000, s8, s31, $0x20;
	[tilespmem:$0x8080] =	vst v63  }
.LBB1_5:
0x19: {  	s13 =	sadd.s32 $0x1000, s9  }
0x1a: {  	p2 =	sgt.s32 s13, $0xC7FFF  }
0x1b: {  	s13 =	smov.u32 @p2 s3;
	p2 =	sne.s32 s10, s7  }
.Ltmp1:
0x1c: {  	p1 =	slt.u32 s10, $0x2;
	(pc) =	sbr.rel @!p2 .LBB1_6-.Ltmp1, $4  }
0x1d: {  	s12 =	simm.s32 @!p1 $0x2  }
0x1e: {  	s14 =	sadd.s32 $0x1, s10;
	_ =	swait.ge @!p1 [sflag:s12], $0x2000  }
0x1f: {  	s11 =	smov.u32 s9;
	p0 =	por !p0, !p0;
	[sflag:s12] =	ssyncset.done @!p1 $0x0  }
0x20: {  	s10 =	smov.u32 s14;
	s9 =	smov.u32 s13;
	[sflag:s12] =	ssyncadd.s32 @!p1 $0xFFFFE000  }
.LBB1_1:
0x21: {  	p1 =	sge.u32 s10, s6  }
0x22: {  	s12 =	sand.u32 @!p1 $0x1FFFFFF, s9  }
0x23: {  	s13 =	smulhi.u32 @!p1 $0x147AE15, s12;
	_ =	sdelay $0x1  }
0x24: {  	s13 =	sshrl.u32 @!p1 s13, $0xC  }
0x25: {  	s13 =	smul.u32 @!p1 $0xC8000, s13;
	_ =	sdelay $0x1  }
0x26: {  	s31 =	sadd.s32 $0xFFFFFFFF, s10;
	s14 =	sxor.u32 @!p1 $0xFFFFFFFF, s10;
	s12 =	ssub.s32 @!p1 s12, s13  }
0x27: {  	s15 =	simm.s32 @!p1 $0x80;
	s14 =	sshll.u32 @!p1 s14, $0xD;
	s12 =	sshll.u32 @!p1 s12, $0x4  }
0x28: {  	s13 =	sand.u32 @!p1 $0x2000, s14;
	s14 =	simm.s32 @!p1 $0x40;
	s12 =	sadd.s32 @!p1 s4, s12  }
0x29: {  	[tilespmem:s13], [sflag:$0x1] =	stream.strided.gather @!p1 [hbm4b:s12+s14], $0x2000, s15, s14, $0x38;
	[tilespmem:$0x8080] =	vst v63  }
0x2a: {  	p1 =	sge.u32 s31, s6  }
.Ltmp2:
0x2b: {  	_ = 	snop;
	(pc) =	sbr.rel @p1 .LBB1_5-.Ltmp2, $1  }
0x2c: {  	_ =	sdelay $0x3  }
0x2d: {  	s12 =	simm.s32 $0x1  }
0x2e: {  	_ =	swait.ge [sflag:s5], $0x2000;
	s12 =	simm.s32 @!p0 $0x0  }
0x2f: {  	[sflag:s5] =	ssyncset.done $0x0;
	s13 =	sshll.u32 s12, $0xD  }
0x30: {  	[sflag:s5] =	ssyncadd.s32 $0xFFFFE000;
	s16 =	sor.u32 $0x20, s13  }
0x31: {  	s12 =	smul.u32 $0x8100, s12;
	v3 =	vld [tilespmem:s16+$0x10]  }
0x32: {  	s30 =	sand.u32 $0x1, s10;
	v2 =	vld [tilespmem:s16+$0xFFFFFFF0]  }
0x33: {  	s13 =	smul.u32 $0x8100, s30;
	s12 =	sshrl.u32 s12, $0x2;
	v0 =	vld [tilespmem:s16+$0x0]  }
0x34: {  	v1 =	vld [tilespmem:s16+$0xFFFFFFE0];
	s14 =	sor.u32 $0x4000, s12  }
0x35: {  	s31 =	sshrl.u32 s13, $0x2;
	s13 =	sadd.s32 $0x0, s14  }
0x36: {  	s15 =	simm.s32 $0x4;
	s16 =	sadd.s32 $0x40, s16;
	s12 =	sor.u32 $0x4000, s31;
	[tilespmem:s13+$0x1830 ss:$0x81] =	vst.msk $0xffff, v3  }
.LBB1_3:
0x37: {  	v3 =	vld [tilespmem:s16+$0x10];
	p1 =	sne.s32 s15, $0x1FC;
	[tilespmem:s13+$0x810 ss:$0x81] =	vst.msk $0xffff, v2;
	s17 =	smov.u32 s15;
	s15 =	sadd.s32 $0x4, s15  }
.Ltmp3:
0x38: {  	v2 =	vld [tilespmem:s16+$0xFFFFFFF0];
	[tilespmem:s13+$0x1020 ss:$0x81] =	vst.msk $0xffff, v0;
	(pc) =	sbr.rel @p1 .LBB1_3-.Ltmp3, $4  }
0x39: {  	v0 =	vld [tilespmem:s16+$0x0];
	[tilespmem:s13+$0x0 ss:$0x81] =	vst.msk $0xffff, v1  }
0x3a: {  	s13 =	sshra.s32 s17, $0x2;
	v1 =	vld [tilespmem:s16+$0xFFFFFFE0]  }
0x3b: {  	s13 =	sadd.s32 s13, s14  }
0x3c: {  	s16 =	sadd.s32 $0x40, s16;
	[tilespmem:s13+$0x1830 ss:$0x81] =	vst.msk $0xffff, v3  }
.Ltmp4:
0x3d: {  	_ = 	snop;
	(pc) =	sbr.rel .LBB1_4-.Ltmp4, $1  }
0x3e: {  	_ =	sdelay $0x3  }
.LBB1_6:
0x3f: {  	_ =	sfence.sel $0x180000  }
0x40: {  	s2 =	simm.s32 $0x1;
	[bflag:$0x0] =	sbarrier.arrive $0xFFFF  }
0x41: {  	s31 =	simm.s32 $0x2;
	[sflag:s2] =	ssyncpa.u1 $0x1  }
0x42: {  	[sflag:s31] =	ssyncpa.u1 $0x1  }
0x43: {  	p0 =	sne.s32 s0, $0x0;
	_ =	strace $0x9000004A  }
0x44: {  	s0 =	sadd.s32 @!p0 $0x100000, s1;
	[bflag:$0x2] =	sbarrier.arrive $0xFFFF  }
0x45: {  	[sflag:s0] =	ssyncadd.tile.s32 @!p0 $0x1;
	_ =	shalt  }
.Lfunc_end1:
_tile_overlayer_lowered:
.L_overlay_start_2:
0x46: {  	(tag) =	ssettag $0x2  }
0x47: {  	s0 =	rddreg [dreg:$0x0];
	s2 =	stileid.u32  }
0x48: {  	s1 =	rddreg [dreg:$0x1];
	p0 =	sne.s32 s2, $0x0  }
0x49: {  	s3 =	rddreg [dreg:$0x2];
	[bflag:$0x3] =	sbarrier.arrive $0xFFFF;
	s2 =	simm.s32 @!p0 $0x1C01  }
0x4a: {  	[timem:s3], [sflag:s2] =	dma.local @!p0 [hbm:s0], s1  }
0x4b: {  	s0 =	simm.s32 @!p0 $0x1  }
0x4c: {  	_ =	swait.ge @!p0 [sflag:s0], s1  }
0x4d: {  	s1 =	ssub.s32 @!p0 $0x0, s1;
	[sflag:s0] =	ssyncset.done @!p0 $0x0  }
0x4e: {  	[sflag:s0] =	ssyncadd.s32 @!p0 s1  }
0x4f: {  	[bflag:$0x3] =	sbarrier.arrive $0xFFFF  }
0x50: {  	_ =	shalt  }

</sc_bundles>
